<compile_context>
chip_gen: v7x
topology: tpu7x:2x2x1
jax: 0.10.2.dev20260603
libtpu: 0.0.44.dev20260713+nightly
codegen_flags: <defaults>
</compile_context>

<pallas_src>
import jax
import jax.numpy as jnp
from jax import lax
from jax.experimental import pallas as pl
from jax.experimental.pallas import tpu as pltpu
from jax.experimental.pallas import tpu_sc as plsc

N_LAYERS = 12
D_SAE = 16384
D_MODEL = 768
NNZ = 65536

LANES = 16
NUM_WORKERS = 32
PER_W = NNZ // NUM_WORKERS
CHUNK = 64
N_CHUNKS = PER_W // CHUNK
COLS = D_MODEL // LANES


def _body(layer_hbm, feat_hbm, acts_hbm, table_hbm, out_hbm,
          idx_v, feat_v, acts_v, rows0, rows1, gsem0, gsem1, osem0, osem1):
    c = lax.axis_index("c")
    s = lax.axis_index("s")
    wid = s * 2 + c
    base = wid * PER_W

    rows = (rows0, rows1)
    gsem = (gsem0, gsem1)
    osem = (osem0, osem1)

    pltpu.sync_copy(acts_hbm.at[pl.ds(base, PER_W)], acts_v.at[pl.ds(0, PER_W)])
    pltpu.sync_copy(layer_hbm.at[pl.ds(base, PER_W)], idx_v)
    pltpu.sync_copy(feat_hbm.at[pl.ds(base, PER_W)], feat_v)

    def idx_body(i, carry):
        off = i * LANES
        l = idx_v[pl.ds(off, LANES)]
        f = feat_v[pl.ds(off, LANES)]
        idx_v[pl.ds(off, LANES)] = (l << 14) + f
        return carry

    lax.fori_loop(0, PER_W // LANES, idx_body, 0, unroll=4)

    def gather(g, b):
        return pltpu.async_copy(
            table_hbm.at[idx_v.at[pl.ds(g * CHUNK, CHUNK)]], rows[b], gsem[b])

    def out_copy(g, b):
        return pltpu.async_copy(
            rows[b], out_hbm.at[pl.ds(base + g * CHUNK, CHUNK)], osem[b])

    def wait_gather(g, b):
        pltpu.make_async_copy(
            table_hbm.at[idx_v.at[pl.ds(g * CHUNK, CHUNK)]], rows[b], gsem[b]
        ).wait()

    def wait_out(g, b):
        pltpu.make_async_copy(
            rows[b], out_hbm.at[pl.ds(base + g * CHUNK, CHUNK)], osem[b]
        ).wait()

    def scale(g, b):
        def row_body(r, carry2):
            m = g * CHUNK + r
            a = jnp.full((LANES,), acts_v[pl.ds(m, LANES)][0])
            for cc in range(COLS):
                sl = pl.ds(cc * LANES, LANES)
                rows[b][r, sl] = rows[b][r, sl] * a
            return carry2

        lax.fori_loop(0, CHUNK, row_body, 0)

    gather(0, 0)

    def pair_body(g2, carry):
        for b in range(2):
            g = g2 * 2 + b
            wait_gather(g, b)

            @pl.when(g + 1 < N_CHUNKS)
            def _start_next():
                @pl.when(g >= 1)
                def _drain_prev_out():
                    wait_out(g - 1, 1 - b)

                gather(g + 1, 1 - b)

            scale(g, b)
            out_copy(g, b)
        return carry

    lax.fori_loop(0, N_CHUNKS // 2, pair_body, 0)
    wait_out(N_CHUNKS - 2, 0)
    wait_out(N_CHUNKS - 1, 1)


def kernel(layer_idx, pos_idx, feat_idx, activations, W_D):
    table = W_D.reshape(N_LAYERS * D_SAE, D_MODEL)
    mesh = plsc.VectorSubcoreMesh(core_axis_name="c", subcore_axis_name="s")
    scaled = pl.kernel(
        _body,
        mesh=mesh,
        out_type=jax.ShapeDtypeStruct((NNZ, D_MODEL), jnp.float32),
        scratch_types=[
            pltpu.VMEM((PER_W,), jnp.int32),
            pltpu.VMEM((PER_W,), jnp.int32),
            pltpu.VMEM((PER_W + LANES,), jnp.float32),
            pltpu.VMEM((CHUNK, D_MODEL), jnp.float32),
            pltpu.VMEM((CHUNK, D_MODEL), jnp.float32),
            pltpu.SemaphoreType.DMA,
            pltpu.SemaphoreType.DMA,
            pltpu.SemaphoreType.DMA,
            pltpu.SemaphoreType.DMA,
        ],
    )(layer_idx.astype(jnp.int32), feat_idx.astype(jnp.int32),
      activations, table)
    encoder_mapping = jnp.arange(NNZ, dtype=jnp.int32)
    return (pos_idx, layer_idx, feat_idx, scaled, encoder_mapping)

# --- scband reference (transcript-rebuilt; emitter-appended) ---
"""Pipeline reference for scband-transcoder-set-71219147702401 (READ-ONLY COPY).

The authoritative reference and input builder live on the scoring server;
editing this copy changes nothing except your own understanding.
"""

import jax, jax.numpy as jnp
import numpy as np

N_LAYERS = 12
D_SAE = 16384
D_MODEL = 768
N_POS = 2048
NNZ = 65536


def setup_inputs(seed: int = 0) -> dict:
    key = jax.random.key(seed)
    k1, k2, k3, k4, k5 = jax.random.split(key, 5)
    # COO indices of the sparse (n_layers, n_pos, d_sae) feature activation tensor.
    # A coalesced torch sparse tensor has lexicographically sorted indices, so the
    # leading (layer) index is sorted.
    layer_idx = jnp.sort(jax.random.randint(k1, (NNZ,), 0, N_LAYERS))
    pos_idx = jax.random.randint(k2, (NNZ,), 0, N_POS)
    feat_idx = jax.random.randint(k3, (NNZ,), 0, D_SAE)
    # Post-ReLU feature activations are non-negative.
    activations = jax.random.uniform(k4, (NNZ,), dtype=jnp.float32)
    # Learned per-layer decoder weights W_D: (n_layers, d_sae, d_model).
    W_D = jax.random.normal(k5, (N_LAYERS, D_SAE, D_MODEL), dtype=jnp.float32) * 0.02
    return {
        "layer_idx": layer_idx,
        "pos_idx": pos_idx,
        "feat_idx": feat_idx,
        "activations": activations,
        "W_D": W_D,
    }


def reference(layer_idx, pos_idx, feat_idx, activations, W_D):
    """Faithful translation of TranscoderSet.select_decoder_vectors.

    The torch code iterates over unique layers, masks the COO entries for that
    layer, gathers W_D[layer][feat_idx] and scales by the activations, then
    concatenates in layer order. Since layer_idx is sorted (coalesced COO), a
    direct per-entry gather W_D[layer_idx, feat_idx] produces the identical
    concatenated result.
    """
    decoder_vectors = W_D[layer_idx, feat_idx]  # (nnz, d_model) gather
    all_scaled_decoder_vectors = activations[:, None] * decoder_vectors
    encoder_mapping = jnp.arange(activations.shape[0], dtype=jnp.int32)
    return (pos_idx, layer_idx, feat_idx, all_scaled_decoder_vectors, encoder_mapping)

if __name__ == "__main__":
    import jax
    _d = setup_inputs()
    print(jax.jit(kernel)(*tuple(_d.values())))

</pallas_src>

<mosaic_0001>
#map = affine_map<(d0, d1) -> (0)>
#map1 = affine_map<(d0, d1) -> (0, 0)>
module attributes {stable_mosaic.version = 14 : i64} {
  func.func @_body(%arg0: i32, %arg1: i32, %arg2: memref<65536xi32, #tpu.memory_space<hbm>>, %arg3: memref<65536xi32, #tpu.memory_space<hbm>>, %arg4: memref<65536xf32, #tpu.memory_space<hbm>>, %arg5: memref<196608x768xf32, #tpu.memory_space<hbm>>, %arg6: memref<65536x768xf32, #tpu.memory_space<hbm>>, %arg7: memref<2048xi32, #tpu.memory_space<vmem>>, %arg8: memref<2048xi32, #tpu.memory_space<vmem>>, %arg9: memref<2064xf32, #tpu.memory_space<vmem>>, %arg10: memref<64x768xf32, #tpu.memory_space<vmem>>, %arg11: memref<64x768xf32, #tpu.memory_space<vmem>>, %arg12: memref<!tpu.dma_semaphore, #tpu.memory_space<semaphore_mem>>, %arg13: memref<!tpu.dma_semaphore, #tpu.memory_space<semaphore_mem>>, %arg14: memref<!tpu.dma_semaphore, #tpu.memory_space<semaphore_mem>>, %arg15: memref<!tpu.dma_semaphore, #tpu.memory_space<semaphore_mem>>) attributes {dimension_semantics = [#tpu.dimension_semantics<core_parallel>, #tpu.dimension_semantics<subcore_parallel>], iteration_bounds = array<i64: 2, 16>, scalar_prefetch = 0 : i64, scratch_operands = 9 : i64, tpu.core_type = #tpu.core_type<sc_vector_subcore>, window_params = [{transform_indices = #map}, {transform_indices = #map}, {transform_indices = #map}, {transform_indices = #map1}, {transform_indices = #map1}]} {
    %mul3A = arith.constant 2 : i32
    %mul3A_0 = arith.muli %arg1, %mul3A : i32
    %add3A = arith.addi %mul3A_0, %arg0 : i32
    %mul3A_1 = arith.constant 2048 : i32
    %mul3A_2 = arith.muli %add3A, %mul3A_1 : i32
    "tpu.region"() ({
      %run_scoped3A = tpu.sem_alloc : memref<!tpu.dma_semaphore, #tpu.memory_space<semaphore_mem>>
      %dma_start3A_29 = arith.constant 0 : i32
      %dma_start3A_30 = tpu.memref_slice %arg9[%dma_start3A_29] : memref<2064xf32, #tpu.memory_space<vmem>> -> memref<2048xf32, #tpu.memory_space<vmem>>
      %dma_start3A_31 = tpu.memref_slice %arg4[%mul3A_2] : memref<65536xf32, #tpu.memory_space<hbm>> -> memref<2048xf32, #tpu.memory_space<hbm>>
      %dma_start3A_32 = arith.constant 0 : i32
      %dma_start3A_33 = tpu.memref_slice %arg9[%dma_start3A_32] : memref<2064xf32, #tpu.memory_space<vmem>> -> memref<2048xf32, #tpu.memory_space<vmem>>
      %dma_start3A_34 = tpu.memref_slice %arg4[%mul3A_2] : memref<65536xf32, #tpu.memory_space<hbm>> -> memref<2048xf32, #tpu.memory_space<hbm>>
      tpu.enqueue_dma source(%dma_start3A_34 : memref<2048xf32, #tpu.memory_space<hbm>>) target(%dma_start3A_33 : memref<2048xf32, #tpu.memory_space<vmem>>) target_semaphore(%run_scoped3A : memref<!tpu.dma_semaphore, #tpu.memory_space<semaphore_mem>>)
      %dma_wait3A_35 = arith.constant 0 : i32
      %dma_wait3A_36 = tpu.memref_slice %arg9[%dma_wait3A_35] : memref<2064xf32, #tpu.memory_space<vmem>> -> memref<2048xf32, #tpu.memory_space<vmem>>
      %dma_wait3A_37 = tpu.memref_slice %arg4[%mul3A_2] : memref<65536xf32, #tpu.memory_space<hbm>> -> memref<2048xf32, #tpu.memory_space<hbm>>
      %dma_wait3A_38 = arith.constant 0 : i32
      %dma_wait3A_39 = tpu.memref_slice %arg9[%dma_wait3A_38] : memref<2064xf32, #tpu.memory_space<vmem>> -> memref<2048xf32, #tpu.memory_space<vmem>>
      %dma_wait3A_40 = tpu.memref_slice %arg4[%mul3A_2] : memref<65536xf32, #tpu.memory_space<hbm>> -> memref<2048xf32, #tpu.memory_space<hbm>>
      tpu.wait_dma2 semaphore(%run_scoped3A : memref<!tpu.dma_semaphore, #tpu.memory_space<semaphore_mem>>) src(%dma_wait3A_40 : memref<2048xf32, #tpu.memory_space<hbm>>) dst(%dma_wait3A_39 : memref<2048xf32, #tpu.memory_space<vmem>>)
      tpu.yield
    }) : () -> ()
    "tpu.region"() ({
      %run_scoped3A = tpu.sem_alloc : memref<!tpu.dma_semaphore, #tpu.memory_space<semaphore_mem>>
      %dma_start3A_29 = tpu.memref_slice %arg2[%mul3A_2] : memref<65536xi32, #tpu.memory_space<hbm>> -> memref<2048xi32, #tpu.memory_space<hbm>>
      %dma_start3A_30 = tpu.memref_slice %arg2[%mul3A_2] : memref<65536xi32, #tpu.memory_space<hbm>> -> memref<2048xi32, #tpu.memory_space<hbm>>
      tpu.enqueue_dma source(%dma_start3A_30 : memref<2048xi32, #tpu.memory_space<hbm>>) target(%arg7 : memref<2048xi32, #tpu.memory_space<vmem>>) target_semaphore(%run_scoped3A : memref<!tpu.dma_semaphore, #tpu.memory_space<semaphore_mem>>)
      %dma_wait3A_31 = tpu.memref_slice %arg2[%mul3A_2] : memref<65536xi32, #tpu.memory_space<hbm>> -> memref<2048xi32, #tpu.memory_space<hbm>>
      %dma_wait3A_32 = tpu.memref_slice %arg2[%mul3A_2] : memref<65536xi32, #tpu.memory_space<hbm>> -> memref<2048xi32, #tpu.memory_space<hbm>>
      tpu.wait_dma2 semaphore(%run_scoped3A : memref<!tpu.dma_semaphore, #tpu.memory_space<semaphore_mem>>) src(%dma_wait3A_32 : memref<2048xi32, #tpu.memory_space<hbm>>) dst(%arg7 : memref<2048xi32, #tpu.memory_space<vmem>>)
      tpu.yield
    }) : () -> ()
    "tpu.region"() ({
      %run_scoped3A = tpu.sem_alloc : memref<!tpu.dma_semaphore, #tpu.memory_space<semaphore_mem>>
      %dma_start3A_29 = tpu.memref_slice %arg3[%mul3A_2] : memref<65536xi32, #tpu.memory_space<hbm>> -> memref<2048xi32, #tpu.memory_space<hbm>>
      %dma_start3A_30 = tpu.memref_slice %arg3[%mul3A_2] : memref<65536xi32, #tpu.memory_space<hbm>> -> memref<2048xi32, #tpu.memory_space<hbm>>
      tpu.enqueue_dma source(%dma_start3A_30 : memref<2048xi32, #tpu.memory_space<hbm>>) target(%arg8 : memref<2048xi32, #tpu.memory_space<vmem>>) target_semaphore(%run_scoped3A : memref<!tpu.dma_semaphore, #tpu.memory_space<semaphore_mem>>)
      %dma_wait3A_31 = tpu.memref_slice %arg3[%mul3A_2] : memref<65536xi32, #tpu.memory_space<hbm>> -> memref<2048xi32, #tpu.memory_space<hbm>>
      %dma_wait3A_32 = tpu.memref_slice %arg3[%mul3A_2] : memref<65536xi32, #tpu.memory_space<hbm>> -> memref<2048xi32, #tpu.memory_space<hbm>>
      tpu.wait_dma2 semaphore(%run_scoped3A : memref<!tpu.dma_semaphore, #tpu.memory_space<semaphore_mem>>) src(%dma_wait3A_32 : memref<2048xi32, #tpu.memory_space<hbm>>) dst(%arg8 : memref<2048xi32, #tpu.memory_space<vmem>>)
      tpu.yield
    }) : () -> ()
    %scan3A = arith.constant 0 : i32
    %scan3A_3 = arith.constant 0 : i32
    %scan3A_4 = arith.constant 128 : i32
    %scan3A_5 = arith.addi %scan3A_3, %scan3A_4 : i32
    %scan3A_6 = arith.constant 4 : i32
    scf.for %scan3A_29 = %scan3A_3 to %scan3A_5 step %scan3A_6  : i32 {
      %mul3A_30 = arith.constant 16 : i32
      %mul3A_31 = arith.muli %scan3A_29, %mul3A_30 : i32
      %get3A = arith.index_cast %mul3A_31 : i32 to index
      %get3A_32 = tpu.vector_load %arg7[%get3A] {strides = array<i32>} : memref<2048xi32, #tpu.memory_space<vmem>>, vector<16xi32>,
      %get3A_33 = vector.shape_cast %get3A_32 : vector<16xi32> to vector<16xi32>
      %get3A_34 = arith.index_cast %mul3A_31 : i32 to index
      %get3A_35 = tpu.vector_load %arg8[%get3A_34] {strides = array<i32>} : memref<2048xi32, #tpu.memory_space<vmem>>, vector<16xi32>,
      %get3A_36 = vector.shape_cast %get3A_35 : vector<16xi32> to vector<16xi32>
      %shift_left3A = arith.constant 14 : i32
      %shift_left3A_37 = vector.broadcast %shift_left3A : i32 to vector<16xi32>
      %shift_left3A_38 = arith.shli %get3A_33, %shift_left3A_37 : vector<16xi32>
      %add3A_39 = arith.addi %shift_left3A_38, %get3A_36 : vector<16xi32>
      %swap3A = arith.index_cast %mul3A_31 : i32 to index
      %swap3A_40 = tpu.vector_load %arg7[%swap3A] {strides = array<i32>} : memref<2048xi32, #tpu.memory_space<vmem>>, vector<16xi32>,
      %swap3A_41 = vector.shape_cast %swap3A_40 : vector<16xi32> to vector<16xi32>
      %swap3A_42 = vector.shape_cast %add3A_39 : vector<16xi32> to vector<16xi32>
      tpu.vector_store %arg7[%swap3A], %swap3A_42 {strides = array<i32>} : memref<2048xi32, #tpu.memory_space<vmem>>, vector<16xi32>,
      %scan3A_43 = arith.constant 1 : i32
      %scan3A_44 = arith.addi %scan3A_29, %scan3A_43 : i32
      %mul3A_45 = arith.constant 16 : i32
      %mul3A_46 = arith.muli %scan3A_44, %mul3A_45 : i32
      %get3A_47 = arith.index_cast %mul3A_46 : i32 to index
      %get3A_48 = tpu.vector_load %arg7[%get3A_47] {strides = array<i32>} : memref<2048xi32, #tpu.memory_space<vmem>>, vector<16xi32>,
      %get3A_49 = vector.shape_cast %get3A_48 : vector<16xi32> to vector<16xi32>
      %get3A_50 = arith.index_cast %mul3A_46 : i32 to index
      %get3A_51 = tpu.vector_load %arg8[%get3A_50] {strides = array<i32>} : memref<2048xi32, #tpu.memory_space<vmem>>, vector<16xi32>,
      %get3A_52 = vector.shape_cast %get3A_51 : vector<16xi32> to vector<16xi32>
      %shift_left3A_53 = arith.constant 14 : i32
      %shift_left3A_54 = vector.broadcast %shift_left3A_53 : i32 to vector<16xi32>
      %shift_left3A_55 = arith.shli %get3A_49, %shift_left3A_54 : vector<16xi32>
      %add3A_56 = arith.addi %shift_left3A_55, %get3A_52 : vector<16xi32>
      %swap3A_57 = arith.index_cast %mul3A_46 : i32 to index
      %swap3A_58 = tpu.vector_load %arg7[%swap3A_57] {strides = array<i32>} : memref<2048xi32, #tpu.memory_space<vmem>>, vector<16xi32>,
      %swap3A_59 = vector.shape_cast %swap3A_58 : vector<16xi32> to vector<16xi32>
      %swap3A_60 = vector.shape_cast %add3A_56 : vector<16xi32> to vector<16xi32>
      tpu.vector_store %arg7[%swap3A_57], %swap3A_60 {strides = array<i32>} : memref<2048xi32, #tpu.memory_space<vmem>>, vector<16xi32>,
      %scan3A_61 = arith.constant 2 : i32
      %scan3A_62 = arith.addi %scan3A_29, %scan3A_61 : i32
      %mul3A_63 = arith.constant 16 : i32
      %mul3A_64 = arith.muli %scan3A_62, %mul3A_63 : i32
      %get3A_65 = arith.index_cast %mul3A_64 : i32 to index
      %get3A_66 = tpu.vector_load %arg7[%get3A_65] {strides = array<i32>} : memref<2048xi32, #tpu.memory_space<vmem>>, vector<16xi32>,
      %get3A_67 = vector.shape_cast %get3A_66 : vector<16xi32> to vector<16xi32>
      %get3A_68 = arith.index_cast %mul3A_64 : i32 to index
      %get3A_69 = tpu.vector_load %arg8[%get3A_68] {strides = array<i32>} : memref<2048xi32, #tpu.memory_space<vmem>>, vector<16xi32>,
      %get3A_70 = vector.shape_cast %get3A_69 : vector<16xi32> to vector<16xi32>
      %shift_left3A_71 = arith.constant 14 : i32
      %shift_left3A_72 = vector.broadcast %shift_left3A_71 : i32 to vector<16xi32>
      %shift_left3A_73 = arith.shli %get3A_67, %shift_left3A_72 : vector<16xi32>
      %add3A_74 = arith.addi %shift_left3A_73, %get3A_70 : vector<16xi32>
      %swap3A_75 = arith.index_cast %mul3A_64 : i32 to index
      %swap3A_76 = tpu.vector_load %arg7[%swap3A_75] {strides = array<i32>} : memref<2048xi32, #tpu.memory_space<vmem>>, vector<16xi32>,
      %swap3A_77 = vector.shape_cast %swap3A_76 : vector<16xi32> to vector<16xi32>
      %swap3A_78 = vector.shape_cast %add3A_74 : vector<16xi32> to vector<16xi32>
      tpu.vector_store %arg7[%swap3A_75], %swap3A_78 {strides = array<i32>} : memref<2048xi32, #tpu.memory_space<vmem>>, vector<16xi32>,
      %scan3A_79 = arith.constant 3 : i32
      %scan3A_80 = arith.addi %scan3A_29, %scan3A_79 : i32
      %mul3A_81 = arith.constant 16 : i32
      %mul3A_82 = arith.muli %scan3A_80, %mul3A_81 : i32
      %get3A_83 = arith.index_cast %mul3A_82 : i32 to index
      %get3A_84 = tpu.vector_load %arg7[%get3A_83] {strides = array<i32>} : memref<2048xi32, #tpu.memory_space<vmem>>, vector<16xi32>,
      %get3A_85 = vector.shape_cast %get3A_84 : vector<16xi32> to vector<16xi32>
      %get3A_86 = arith.index_cast %mul3A_82 : i32 to index
      %get3A_87 = tpu.vector_load %arg8[%get3A_86] {strides = array<i32>} : memref<2048xi32, #tpu.memory_space<vmem>>, vector<16xi32>,
      %get3A_88 = vector.shape_cast %get3A_87 : vector<16xi32> to vector<16xi32>
      %shift_left3A_89 = arith.constant 14 : i32
      %shift_left3A_90 = vector.broadcast %shift_left3A_89 : i32 to vector<16xi32>
      %shift_left3A_91 = arith.shli %get3A_85, %shift_left3A_90 : vector<16xi32>
      %add3A_92 = arith.addi %shift_left3A_91, %get3A_88 : vector<16xi32>
      %swap3A_93 = arith.index_cast %mul3A_82 : i32 to index
      %swap3A_94 = tpu.vector_load %arg7[%swap3A_93] {strides = array<i32>} : memref<2048xi32, #tpu.memory_space<vmem>>, vector<16xi32>,
      %swap3A_95 = vector.shape_cast %swap3A_94 : vector<16xi32> to vector<16xi32>
      %swap3A_96 = vector.shape_cast %add3A_92 : vector<16xi32> to vector<16xi32>
      tpu.vector_store %arg7[%swap3A_93], %swap3A_96 {strides = array<i32>} : memref<2048xi32, #tpu.memory_space<vmem>>, vector<16xi32>,
    }
    %scan3A_7 = arith.constant 128 : i32
    %dma_start3A = arith.constant 0 : i32
    %dma_start3A_8 = tpu.memref_slice %arg7[%dma_start3A] : memref<2048xi32, #tpu.memory_space<vmem>> -> memref<64xi32, #tpu.memory_space<vmem>>
    %dma_start3A_9 = arith.constant 0 : i32
    %dma_start3A_10 = arith.constant 0 : i32
    %dma_start3A_11 = tpu.memref_slice %arg5[%dma_start3A_9, %dma_start3A_10] : memref<196608x768xf32, #tpu.memory_space<hbm>> -> memref<196608x768xf32, #tpu.memory_space<hbm>>
    tpu.enqueue_indirect_dma source(%dma_start3A_11 : memref<196608x768xf32, #tpu.memory_space<hbm>>) target(%arg10 : memref<64x768xf32, #tpu.memory_space<vmem>>) offsets(%dma_start3A_8 : memref<64xi32, #tpu.memory_space<vmem>>) semaphore(%arg12 : memref<!tpu.dma_semaphore, #tpu.memory_space<semaphore_mem>>)
    %scan3A_12 = arith.constant 0 : i32
    %scan3A_13 = arith.constant 0 : i32
    %scan3A_14 = arith.constant 16 : i32
    %scan3A_15 = arith.addi %scan3A_13, %scan3A_14 : i32
    %scan3A_16 = arith.constant 1 : i32
    scf.for %scan3A_29 = %scan3A_13 to %scan3A_15 step %scan3A_16  : i32 {
      %mul3A_30 = arith.constant 2 : i32
      %mul3A_31 = arith.muli %scan3A_29, %mul3A_30 : i32
      %add3A_32 = arith.constant 0 : i32
      %add3A_33 = arith.addi %mul3A_31, %add3A_32 : i32
      %mul3A_34 = arith.constant 64 : i32
      %mul3A_35 = arith.muli %add3A_33, %mul3A_34 : i32
      %dma_wait3A_36 = tpu.memref_slice %arg7[%mul3A_35] : memref<2048xi32, #tpu.memory_space<vmem>> -> memref<64xi32, #tpu.memory_space<vmem>>
      %dma_wait3A_37 = arith.constant 0 : i32
      %dma_wait3A_38 = arith.constant 0 : i32
      %dma_wait3A_39 = tpu.memref_slice %arg5[%dma_wait3A_37, %dma_wait3A_38] : memref<196608x768xf32, #tpu.memory_space<hbm>> -> memref<196608x768xf32, #tpu.memory_space<hbm>>
      tpu.wait_indirect_dma semaphore(%arg12 : memref<!tpu.dma_semaphore, #tpu.memory_space<semaphore_mem>>) src(%dma_wait3A_39 : memref<196608x768xf32, #tpu.memory_space<hbm>>) dst(%arg10 : memref<64x768xf32, #tpu.memory_space<vmem>>)
      %add3A_40 = arith.constant 1 : i32
      %add3A_41 = arith.addi %add3A_33, %add3A_40 : i32
      %lt3A = arith.constant 32 : i32
      %lt3A_42 = arith.cmpi slt, %add3A_41, %lt3A : i32
      %convert_element_type3A = arith.extui %lt3A_42 : i1 to i32
      %cond3A = arith.constant 0 : i32
      %cond3A_43 = arith.cmpi ne, %convert_element_type3A, %cond3A : i32
      scf.if %cond3A_43 {
        %ge3A = arith.constant 1 : i32
        %ge3A_87 = arith.cmpi sge, %add3A_33, %ge3A : i32
        %convert_element_type3A_88 = arith.extui %ge3A_87 : i1 to i32
        %cond3A_89 = arith.constant 0 : i32
        %cond3A_90 = arith.cmpi ne, %convert_element_type3A_88, %cond3A_89 : i32
        scf.if %cond3A_90 {
          %sub3A = arith.constant 1 : i32
          %sub3A_99 = arith.subi %add3A_33, %sub3A : i32
          %mul3A_100 = arith.constant 64 : i32
          %mul3A_101 = arith.muli %sub3A_99, %mul3A_100 : i32
          %add3A_102 = arith.addi %mul3A_2, %mul3A_101 : i32
          %dma_wait3A_103 = arith.constant 0 : i32
          %dma_wait3A_104 = tpu.memref_slice %arg6[%add3A_102, %dma_wait3A_103] : memref<65536x768xf32, #tpu.memory_space<hbm>> -> memref<64x768xf32, #tpu.memory_space<hbm>>
          %dma_wait3A_105 = arith.constant 0 : i32
          %dma_wait3A_106 = tpu.memref_slice %arg6[%add3A_102, %dma_wait3A_105] : memref<65536x768xf32, #tpu.memory_space<hbm>> -> memref<64x768xf32, #tpu.memory_space<hbm>>
          tpu.wait_dma2 semaphore(%arg15 : memref<!tpu.dma_semaphore, #tpu.memory_space<semaphore_mem>>) src(%arg11 : memref<64x768xf32, #tpu.memory_space<vmem>>) dst(%dma_wait3A_106 : memref<64x768xf32, #tpu.memory_space<hbm>>)
        } else {
        }
        %add3A_91 = arith.constant 1 : i32
        %add3A_92 = arith.addi %add3A_33, %add3A_91 : i32
        %mul3A_93 = arith.constant 64 : i32
        %mul3A_94 = arith.muli %add3A_92, %mul3A_93 : i32
        %dma_start3A_95 = tpu.memref_slice %arg7[%mul3A_94] : memref<2048xi32, #tpu.memory_space<vmem>> -> memref<64xi32, #tpu.memory_space<vmem>>
        %dma_start3A_96 = arith.constant 0 : i32
        %dma_start3A_97 = arith.constant 0 : i32
        %dma_start3A_98 = tpu.memref_slice %arg5[%dma_start3A_96, %dma_start3A_97] : memref<196608x768xf32, #tpu.memory_space<hbm>> -> memref<196608x768xf32, #tpu.memory_space<hbm>>
        tpu.enqueue_indirect_dma source(%dma_start3A_98 : memref<196608x768xf32, #tpu.memory_space<hbm>>) target(%arg11 : memref<64x768xf32, #tpu.memory_space<vmem>>) offsets(%dma_start3A_95 : memref<64xi32, #tpu.memory_space<vmem>>) semaphore(%arg13 : memref<!tpu.dma_semaphore, #tpu.memory_space<semaphore_mem>>)
      } else {
      }
      %scan3A_44 = arith.constant 0 : i32
      %scan3A_45 = arith.constant 0 : i32
      %scan3A_46 = arith.constant 64 : i32
      %scan3A_47 = arith.addi %scan3A_45, %scan3A_46 : i32
      %scan3A_48 = arith.constant 1 : i32
      scf.for %scan3A_87 = %scan3A_45 to %scan3A_47 step %scan3A_48  : i32 {
        %mul3A_88 = arith.constant 64 : i32
        %mul3A_89 = arith.muli %add3A_33, %mul3A_88 : i32
        %add3A_90 = arith.addi %mul3A_89, %scan3A_87 : i32
        %get3A = arith.index_cast %add3A_90 : i32 to index
        %get3A_91 = tpu.vector_load %arg9[%get3A] {strides = array<i32>} : memref<2064xf32, #tpu.memory_space<vmem>>, vector<16xf32>,
        %get3A_92 = vector.shape_cast %get3A_91 : vector<16xf32> to vector<16xf32>
        %slice3A = vector.extract_strided_slice %get3A_92 {offsets = [0], sizes = [1], strides = [1]} : vector<16xf32> to vector<1xf32>
        %squeeze3A = vector.extract %slice3A[0] : f32 from vector<1xf32>
        %broadcast_in_dim3A = vector.broadcast %squeeze3A : f32 to vector<16xf32>
        %get3A_93 = arith.index_cast %scan3A_87 : i32 to index
        %get3A_94 = arith.constant 0 : index
        %get3A_95 = tpu.vector_load %arg10[%get3A_93, %get3A_94] {strides = array<i32>} : memref<64x768xf32, #tpu.memory_space<vmem>>, vector<1x16xf32>,
        %get3A_96 = vector.shape_cast %get3A_95 : vector<1x16xf32> to vector<16xf32>
        %mul3A_97 = arith.mulf %get3A_96, %broadcast_in_dim3A : vector<16xf32>
        %swap3A = arith.index_cast %scan3A_87 : i32 to index
        %swap3A_98 = arith.constant 0 : index
        %swap3A_99 = tpu.vector_load %arg10[%swap3A, %swap3A_98] {strides = array<i32>} : memref<64x768xf32, #tpu.memory_space<vmem>>, vector<1x16xf32>,
        %swap3A_100 = vector.shape_cast %swap3A_99 : vector<1x16xf32> to vector<16xf32>
        %swap3A_101 = vector.shape_cast %mul3A_97 : vector<16xf32> to vector<1x16xf32>
        tpu.vector_store %arg10[%swap3A, %swap3A_98], %swap3A_101 {strides = array<i32>} : memref<64x768xf32, #tpu.memory_space<vmem>>, vector<1x16xf32>,
        %get3A_102 = arith.index_cast %scan3A_87 : i32 to index
        %get3A_103 = arith.constant 16 : index
        %get3A_104 = tpu.vector_load %arg10[%get3A_102, %get3A_103] {strides = array<i32>} : memref<64x768xf32, #tpu.memory_space<vmem>>, vector<1x16xf32>,
        %get3A_105 = vector.shape_cast %get3A_104 : vector<1x16xf32> to vector<16xf32>
        %mul3A_106 = arith.mulf %get3A_105, %broadcast_in_dim3A : vector<16xf32>
        %swap3A_107 = arith.index_cast %scan3A_87 : i32 to index
        %swap3A_108 = arith.constant 16 : index
        %swap3A_109 = tpu.vector_load %arg10[%swap3A_107, %swap3A_108] {strides = array<i32>} : memref<64x768xf32, #tpu.memory_space<vmem>>, vector<1x16xf32>,
        %swap3A_110 = vector.shape_cast %swap3A_109 : vector<1x16xf32> to vector<16xf32>
        %swap3A_111 = vector.shape_cast %mul3A_106 : vector<16xf32> to vector<1x16xf32>
        tpu.vector_store %arg10[%swap3A_107, %swap3A_108], %swap3A_111 {strides = array<i32>} : memref<64x768xf32, #tpu.memory_space<vmem>>, vector<1x16xf32>,
        %get3A_112 = arith.index_cast %scan3A_87 : i32 to index
        %get3A_113 = arith.constant 32 : index
        %get3A_114 = tpu.vector_load %arg10[%get3A_112, %get3A_113] {strides = array<i32>} : memref<64x768xf32, #tpu.memory_space<vmem>>, vector<1x16xf32>,
        %get3A_115 = vector.shape_cast %get3A_114 : vector<1x16xf32> to vector<16xf32>
        %mul3A_116 = arith.mulf %get3A_115, %broadcast_in_dim3A : vector<16xf32>
        %swap3A_117 = arith.index_cast %scan3A_87 : i32 to index
        %swap3A_118 = arith.constant 32 : index
        %swap3A_119 = tpu.vector_load %arg10[%swap3A_117, %swap3A_118] {strides = array<i32>} : memref<64x768xf32, #tpu.memory_space<vmem>>, vector<1x16xf32>,
        %swap3A_120 = vector.shape_cast %swap3A_119 : vector<1x16xf32> to vector<16xf32>
        %swap3A_121 = vector.shape_cast %mul3A_116 : vector<16xf32> to vector<1x16xf32>
        tpu.vector_store %arg10[%swap3A_117, %swap3A_118], %swap3A_121 {strides = array<i32>} : memref<64x768xf32, #tpu.memory_space<vmem>>, vector<1x16xf32>,
        %get3A_122 = arith.index_cast %scan3A_87 : i32 to index
        %get3A_123 = arith.constant 48 : index
        %get3A_124 = tpu.vector_load %arg10[%get3A_122, %get3A_123] {strides = array<i32>} : memref<64x768xf32, #tpu.memory_space<vmem>>, vector<1x16xf32>,
        %get3A_125 = vector.shape_cast %get3A_124 : vector<1x16xf32> to vector<16xf32>
        %mul3A_126 = arith.mulf %get3A_125, %broadcast_in_dim3A : vector<16xf32>
        %swap3A_127 = arith.index_cast %scan3A_87 : i32 to index
        %swap3A_128 = arith.constant 48 : index
        %swap3A_129 = tpu.vector_load %arg10[%swap3A_127, %swap3A_128] {strides = array<i32>} : memref<64x768xf32, #tpu.memory_space<vmem>>, vector<1x16xf32>,
        %swap3A_130 = vector.shape_cast %swap3A_129 : vector<1x16xf32> to vector<16xf32>
        %swap3A_131 = vector.shape_cast %mul3A_126 : vector<16xf32> to vector<1x16xf32>
        tpu.vector_store %arg10[%swap3A_127, %swap3A_128], %swap3A_131 {strides = array<i32>} : memref<64x768xf32, #tpu.memory_space<vmem>>, vector<1x16xf32>,
        %get3A_132 = arith.index_cast %scan3A_87 : i32 to index
        %get3A_133 = arith.constant 64 : index
        %get3A_134 = tpu.vector_load %arg10[%get3A_132, %get3A_133] {strides = array<i32>} : memref<64x768xf32, #tpu.memory_space<vmem>>, vector<1x16xf32>,
        %get3A_135 = vector.shape_cast %get3A_134 : vector<1x16xf32> to vector<16xf32>
        %mul3A_136 = arith.mulf %get3A_135, %broadcast_in_dim3A : vector<16xf32>
        %swap3A_137 = arith.index_cast %scan3A_87 : i32 to index
        %swap3A_138 = arith.constant 64 : index
        %swap3A_139 = tpu.vector_load %arg10[%swap3A_137, %swap3A_138] {strides = array<i32>} : memref<64x768xf32, #tpu.memory_space<vmem>>, vector<1x16xf32>,
        %swap3A_140 = vector.shape_cast %swap3A_139 : vector<1x16xf32> to vector<16xf32>
        %swap3A_141 = vector.shape_cast %mul3A_136 : vector<16xf32> to vector<1x16xf32>
        tpu.vector_store %arg10[%swap3A_137, %swap3A_138], %swap3A_141 {strides = array<i32>} : memref<64x768xf32, #tpu.memory_space<vmem>>, vector<1x16xf32>,
        %get3A_142 = arith.index_cast %scan3A_87 : i32 to index
        %get3A_143 = arith.constant 80 : index
        %get3A_144 = tpu.vector_load %arg10[%get3A_142, %get3A_143] {strides = array<i32>} : memref<64x768xf32, #tpu.memory_space<vmem>>, vector<1x16xf32>,
        %get3A_145 = vector.shape_cast %get3A_144 : vector<1x16xf32> to vector<16xf32>
        %mul3A_146 = arith.mulf %get3A_145, %broadcast_in_dim3A : vector<16xf32>
        %swap3A_147 = arith.index_cast %scan3A_87 : i32 to index
        %swap3A_148 = arith.constant 80 : index
        %swap3A_149 = tpu.vector_load %arg10[%swap3A_147, %swap3A_148] {strides = array<i32>} : memref<64x768xf32, #tpu.memory_space<vmem>>, vector<1x16xf32>,
        %swap3A_150 = vector.shape_cast %swap3A_149 : vector<1x16xf32> to vector<16xf32>
        %swap3A_151 = vector.shape_cast %mul3A_146 : vector<16xf32> to vector<1x16xf32>
        tpu.vector_store %arg10[%swap3A_147, %swap3A_148], %swap3A_151 {strides = array<i32>} : memref<64x768xf32, #tpu.memory_space<vmem>>, vector<1x16xf32>,
        %get3A_152 = arith.index_cast %scan3A_87 : i32 to index
        %get3A_153 = arith.constant 96 : index
        %get3A_154 = tpu.vector_load %arg10[%get3A_152, %get3A_153] {strides = array<i32>} : memref<64x768xf32, #tpu.memory_space<vmem>>, vector<1x16xf32>,
        %get3A_155 = vector.shape_cast %get3A_154 : vector<1x16xf32> to vector<16xf32>
        %mul3A_156 = arith.mulf %get3A_155, %broadcast_in_dim3A : vector<16xf32>
        %swap3A_157 = arith.index_cast %scan3A_87 : i32 to index
        %swap3A_158 = arith.constant 96 : index
        %swap3A_159 = tpu.vector_load %arg10[%swap3A_157, %swap3A_158] {strides = array<i32>} : memref<64x768xf32, #tpu.memory_space<vmem>>, vector<1x16xf32>,
        %swap3A_160 = vector.shape_cast %swap3A_159 : vector<1x16xf32> to vector<16xf32>
        %swap3A_161 = vector.shape_cast %mul3A_156 : vector<16xf32> to vector<1x16xf32>
        tpu.vector_store %arg10[%swap3A_157, %swap3A_158], %swap3A_161 {strides = array<i32>} : memref<64x768xf32, #tpu.memory_space<vmem>>, vector<1x16xf32>,
        %get3A_162 = arith.index_cast %scan3A_87 : i32 to index
        %get3A_163 = arith.constant 112 : index
        %get3A_164 = tpu.vector_load %arg10[%get3A_162, %get3A_163] {strides = array<i32>} : memref<64x768xf32, #tpu.memory_space<vmem>>, vector<1x16xf32>,
        %get3A_165 = vector.shape_cast %get3A_164 : vector<1x16xf32> to vector<16xf32>
        %mul3A_166 = arith.mulf %get3A_165, %broadcast_in_dim3A : vector<16xf32>
        %swap3A_167 = arith.index_cast %scan3A_87 : i32 to index
        %swap3A_168 = arith.constant 112 : index
        %swap3A_169 = tpu.vector_load %arg10[%swap3A_167, %swap3A_168] {strides = array<i32>} : memref<64x768xf32, #tpu.memory_space<vmem>>, vector<1x16xf32>,
        %swap3A_170 = vector.shape_cast %swap3A_169 : vector<1x16xf32> to vector<16xf32>
        %swap3A_171 = vector.shape_cast %mul3A_166 : vector<16xf32> to vector<1x16xf32>
        tpu.vector_store %arg10[%swap3A_167, %swap3A_168], %swap3A_171 {strides = array<i32>} : memref<64x768xf32, #tpu.memory_space<vmem>>, vector<1x16xf32>,
        %get3A_172 = arith.index_cast %scan3A_87 : i32 to index
        %get3A_173 = arith.constant 128 : index
        %get3A_174 = tpu.vector_load %arg10[%get3A_172, %get3A_173] {strides = array<i32>} : memref<64x768xf32, #tpu.memory_space<vmem>>, vector<1x16xf32>,
        %get3A_175 = vector.shape_cast %get3A_174 : vector<1x16xf32> to vector<16xf32>
        %mul3A_176 = arith.mulf %get3A_175, %broadcast_in_dim3A : vector<16xf32>
        %swap3A_177 = arith.index_cast %scan3A_87 : i32 to index
        %swap3A_178 = arith.constant 128 : index
        %swap3A_179 = tpu.vector_load %arg10[%swap3A_177, %swap3A_178] {strides = array<i32>} : memref<64x768xf32, #tpu.memory_space<vmem>>, vector<1x16xf32>,
        %swap3A_180 = vector.shape_cast %swap3A_179 : vector<1x16xf32> to vector<16xf32>
        %swap3A_181 = vector.shape_cast %mul3A_176 : vector<16xf32> to vector<1x16xf32>
        tpu.vector_store %arg10[%swap3A_177, %swap3A_178], %swap3A_181 {strides = array<i32>} : memref<64x768xf32, #tpu.memory_space<vmem>>, vector<1x16xf32>,
        %get3A_182 = arith.index_cast %scan3A_87 : i32 to index
        %get3A_183 = arith.constant 144 : index
        %get3A_184 = tpu.vector_load %arg10[%get3A_182, %get3A_183] {strides = array<i32>} : memref<64x768xf32, #tpu.memory_space<vmem>>, vector<1x16xf32>,
        %get3A_185 = vector.shape_cast %get3A_184 : vector<1x16xf32> to vector<16xf32>
        %mul3A_186 = arith.mulf %get3A_185, %broadcast_in_dim3A : vector<16xf32>
        %swap3A_187 = arith.index_cast %scan3A_87 : i32 to index
        %swap3A_188 = arith.constant 144 : index
        %swap3A_189 = tpu.vector_load %arg10[%swap3A_187, %swap3A_188] {strides = array<i32>} : memref<64x768xf32, #tpu.memory_space<vmem>>, vector<1x16xf32>,
        %swap3A_190 = vector.shape_cast %swap3A_189 : vector<1x16xf32> to vector<16xf32>
        %swap3A_191 = vector.shape_cast %mul3A_186 : vector<16xf32> to vector<1x16xf32>
        tpu.vector_store %arg10[%swap3A_187, %swap3A_188], %swap3A_191 {strides = array<i32>} : memref<64x768xf32, #tpu.memory_space<vmem>>, vector<1x16xf32>,
        %get3A_192 = arith.index_cast %scan3A_87 : i32 to index
        %get3A_193 = arith.constant 160 : index
        %get3A_194 = tpu.vector_load %arg10[%get3A_192, %get3A_193] {strides = array<i32>} : memref<64x768xf32, #tpu.memory_space<vmem>>, vector<1x16xf32>,
        %get3A_195 = vector.shape_cast %get3A_194 : vector<1x16xf32> to vector<16xf32>
        %mul3A_196 = arith.mulf %get3A_195, %broadcast_in_dim3A : vector<16xf32>
        %swap3A_197 = arith.index_cast %scan3A_87 : i32 to index
        %swap3A_198 = arith.constant 160 : index
        %swap3A_199 = tpu.vector_load %arg10[%swap3A_197, %swap3A_198] {strides = array<i32>} : memref<64x768xf32, #tpu.memory_space<vmem>>, vector<1x16xf32>,
        %swap3A_200 = vector.shape_cast %swap3A_199 : vector<1x16xf32> to vector<16xf32>
        %swap3A_201 = vector.shape_cast %mul3A_196 : vector<16xf32> to vector<1x16xf32>
        tpu.vector_store %arg10[%swap3A_197, %swap3A_198], %swap3A_201 {strides = array<i32>} : memref<64x768xf32, #tpu.memory_space<vmem>>, vector<1x16xf32>,
        %get3A_202 = arith.index_cast %scan3A_87 : i32 to index
        %get3A_203 = arith.constant 176 : index
        %get3A_204 = tpu.vector_load %arg10[%get3A_202, %get3A_203] {strides = array<i32>} : memref<64x768xf32, #tpu.memory_space<vmem>>, vector<1x16xf32>,
        %get3A_205 = vector.shape_cast %get3A_204 : vector<1x16xf32> to vector<16xf32>
        %mul3A_206 = arith.mulf %get3A_205, %broadcast_in_dim3A : vector<16xf32>
        %swap3A_207 = arith.index_cast %scan3A_87 : i32 to index
        %swap3A_208 = arith.constant 176 : index
        %swap3A_209 = tpu.vector_load %arg10[%swap3A_207, %swap3A_208] {strides = array<i32>} : memref<64x768xf32, #tpu.memory_space<vmem>>, vector<1x16xf32>,
        %swap3A_210 = vector.shape_cast %swap3A_209 : vector<1x16xf32> to vector<16xf32>
        %swap3A_211 = vector.shape_cast %mul3A_206 : vector<16xf32> to vector<1x16xf32>
        tpu.vector_store %arg10[%swap3A_207, %swap3A_208], %swap3A_211 {strides = array<i32>} : memref<64x768xf32, #tpu.memory_space<vmem>>, vector<1x16xf32>,
        %get3A_212 = arith.index_cast %scan3A_87 : i32 to index
        %get3A_213 = arith.constant 192 : index
        %get3A_214 = tpu.vector_load %arg10[%get3A_212, %get3A_213] {strides = array<i32>} : memref<64x768xf32, #tpu.memory_space<vmem>>, vector<1x16xf32>,
        %get3A_215 = vector.shape_cast %get3A_214 : vector<1x16xf32> to vector<16xf32>
        %mul3A_216 = arith.mulf %get3A_215, %broadcast_in_dim3A : vector<16xf32>
        %swap3A_217 = arith.index_cast %scan3A_87 : i32 to index
        %swap3A_218 = arith.constant 192 : index
        %swap3A_219 = tpu.vector_load %arg10[%swap3A_217, %swap3A_218] {strides = array<i32>} : memref<64x768xf32, #tpu.memory_space<vmem>>, vector<1x16xf32>,
        %swap3A_220 = vector.shape_cast %swap3A_219 : vector<1x16xf32> to vector<16xf32>
        %swap3A_221 = vector.shape_cast %mul3A_216 : vector<16xf32> to vector<1x16xf32>
        tpu.vector_store %arg10[%swap3A_217, %swap3A_218], %swap3A_221 {strides = array<i32>} : memref<64x768xf32, #tpu.memory_space<vmem>>, vector<1x16xf32>,
        %get3A_222 = arith.index_cast %scan3A_87 : i32 to index
        %get3A_223 = arith.constant 208 : index
        %get3A_224 = tpu.vector_load %arg10[%get3A_222, %get3A_223] {strides = array<i32>} : memref<64x768xf32, #tpu.memory_space<vmem>>, vector<1x16xf32>,
        %get3A_225 = vector.shape_cast %get3A_224 : vector<1x16xf32> to vector<16xf32>
        %mul3A_226 = arith.mulf %get3A_225, %broadcast_in_dim3A : vector<16xf32>
        %swap3A_227 = arith.index_cast %scan3A_87 : i32 to index
        %swap3A_228 = arith.constant 208 : index
        %swap3A_229 = tpu.vector_load %arg10[%swap3A_227, %swap3A_228] {strides = array<i32>} : memref<64x768xf32, #tpu.memory_space<vmem>>, vector<1x16xf32>,
        %swap3A_230 = vector.shape_cast %swap3A_229 : vector<1x16xf32> to vector<16xf32>
        %swap3A_231 = vector.shape_cast %mul3A_226 : vector<16xf32> to vector<1x16xf32>
        tpu.vector_store %arg10[%swap3A_227, %swap3A_228], %swap3A_231 {strides = array<i32>} : memref<64x768xf32, #tpu.memory_space<vmem>>, vector<1x16xf32>,
        %get3A_232 = arith.index_cast %scan3A_87 : i32 to index
        %get3A_233 = arith.constant 224 : index
        %get3A_234 = tpu.vector_load %arg10[%get3A_232, %get3A_233] {strides = array<i32>} : memref<64x768xf32, #tpu.memory_space<vmem>>, vector<1x16xf32>,
        %get3A_235 = vector.shape_cast %get3A_234 : vector<1x16xf32> to vector<16xf32>
        %mul3A_236 = arith.mulf %get3A_235, %broadcast_in_dim3A : vector<16xf32>
        %swap3A_237 = arith.index_cast %scan3A_87 : i32 to index
        %swap3A_238 = arith.constant 224 : index
        %swap3A_239 = tpu.vector_load %arg10[%swap3A_237, %swap3A_238] {strides = array<i32>} : memref<64x768xf32, #tpu.memory_space<vmem>>, vector<1x16xf32>,
        %swap3A_240 = vector.shape_cast %swap3A_239 : vector<1x16xf32> to vector<16xf32>
        %swap3A_241 = vector.shape_cast %mul3A_236 : vector<16xf32> to vector<1x16xf32>
        tpu.vector_store %arg10[%swap3A_237, %swap3A_238], %swap3A_241 {strides = array<i32>} : memref<64x768xf32, #tpu.memory_space<vmem>>, vector<1x16xf32>,
        %get3A_242 = arith.index_cast %scan3A_87 : i32 to index
        %get3A_243 = arith.constant 240 : index
        %get3A_244 = tpu.vector_load %arg10[%get3A_242, %get3A_243] {strides = array<i32>} : memref<64x768xf32, #tpu.memory_space<vmem>>, vector<1x16xf32>,
        %get3A_245 = vector.shape_cast %get3A_244 : vector<1x16xf32> to vector<16xf32>
        %mul3A_246 = arith.mulf %get3A_245, %broadcast_in_dim3A : vector<16xf32>
        %swap3A_247 = arith.index_cast %scan3A_87 : i32 to index
        %swap3A_248 = arith.constant 240 : index
        %swap3A_249 = tpu.vector_load %arg10[%swap3A_247, %swap3A_248] {strides = array<i32>} : memref<64x768xf32, #tpu.memory_space<vmem>>, vector<1x16xf32>,
        %swap3A_250 = vector.shape_cast %swap3A_249 : vector<1x16xf32> to vector<16xf32>
        %swap3A_251 = vector.shape_cast %mul3A_246 : vector<16xf32> to vector<1x16xf32>
        tpu.vector_store %arg10[%swap3A_247, %swap3A_248], %swap3A_251 {strides = array<i32>} : memref<64x768xf32, #tpu.memory_space<vmem>>, vector<1x16xf32>,
        %get3A_252 = arith.index_cast %scan3A_87 : i32 to index
        %get3A_253 = arith.constant 256 : index
        %get3A_254 = tpu.vector_load %arg10[%get3A_252, %get3A_253] {strides = array<i32>} : memref<64x768xf32, #tpu.memory_space<vmem>>, vector<1x16xf32>,
        %get3A_255 = vector.shape_cast %get3A_254 : vector<1x16xf32> to vector<16xf32>
        %mul3A_256 = arith.mulf %get3A_255, %broadcast_in_dim3A : vector<16xf32>
        %swap3A_257 = arith.index_cast %scan3A_87 : i32 to index
        %swap3A_258 = arith.constant 256 : index
        %swap3A_259 = tpu.vector_load %arg10[%swap3A_257, %swap3A_258] {strides = array<i32>} : memref<64x768xf32, #tpu.memory_space<vmem>>, vector<1x16xf32>,
        %swap3A_260 = vector.shape_cast %swap3A_259 : vector<1x16xf32> to vector<16xf32>
        %swap3A_261 = vector.shape_cast %mul3A_256 : vector<16xf32> to vector<1x16xf32>
        tpu.vector_store %arg10[%swap3A_257, %swap3A_258], %swap3A_261 {strides = array<i32>} : memref<64x768xf32, #tpu.memory_space<vmem>>, vector<1x16xf32>,
        %get3A_262 = arith.index_cast %scan3A_87 : i32 to index
        %get3A_263 = arith.constant 272 : index
        %get3A_264 = tpu.vector_load %arg10[%get3A_262, %get3A_263] {strides = array<i32>} : memref<64x768xf32, #tpu.memory_space<vmem>>, vector<1x16xf32>,
        %get3A_265 = vector.shape_cast %get3A_264 : vector<1x16xf32> to vector<16xf32>
        %mul3A_266 = arith.mulf %get3A_265, %broadcast_in_dim3A : vector<16xf32>
        %swap3A_267 = arith.index_cast %scan3A_87 : i32 to index
        %swap3A_268 = arith.constant 272 : index
        %swap3A_269 = tpu.vector_load %arg10[%swap3A_267, %swap3A_268] {strides = array<i32>} : memref<64x768xf32, #tpu.memory_space<vmem>>, vector<1x16xf32>,
        %swap3A_270 = vector.shape_cast %swap3A_269 : vector<1x16xf32> to vector<16xf32>
        %swap3A_271 = vector.shape_cast %mul3A_266 : vector<16xf32> to vector<1x16xf32>
        tpu.vector_store %arg10[%swap3A_267, %swap3A_268], %swap3A_271 {strides = array<i32>} : memref<64x768xf32, #tpu.memory_space<vmem>>, vector<1x16xf32>,
        %get3A_272 = arith.index_cast %scan3A_87 : i32 to index
        %get3A_273 = arith.constant 288 : index
        %get3A_274 = tpu.vector_load %arg10[%get3A_272, %get3A_273] {strides = array<i32>} : memref<64x768xf32, #tpu.memory_space<vmem>>, vector<1x16xf32>,
        %get3A_275 = vector.shape_cast %get3A_274 : vector<1x16xf32> to vector<16xf32>
        %mul3A_276 = arith.mulf %get3A_275, %broadcast_in_dim3A : vector<16xf32>
        %swap3A_277 = arith.index_cast %scan3A_87 : i32 to index
        %swap3A_278 = arith.constant 288 : index
        %swap3A_279 = tpu.vector_load %arg10[%swap3A_277, %swap3A_278] {strides = array<i32>} : memref<64x768xf32, #tpu.memory_space<vmem>>, vector<1x16xf32>,
        %swap3A_280 = vector.shape_cast %swap3A_279 : vector<1x16xf32> to vector<16xf32>
        %swap3A_281 = vector.shape_cast %mul3A_276 : vector<16xf32> to vector<1x16xf32>
        tpu.vector_store %arg10[%swap3A_277, %swap3A_278], %swap3A_281 {strides = array<i32>} : memref<64x768xf32, #tpu.memory_space<vmem>>, vector<1x16xf32>,
        %get3A_282 = arith.index_cast %scan3A_87 : i32 to index
        %get3A_283 = arith.constant 304 : index
        %get3A_284 = tpu.vector_load %arg10[%get3A_282, %get3A_283] {strides = array<i32>} : memref<64x768xf32, #tpu.memory_space<vmem>>, vector<1x16xf32>,
        %get3A_285 = vector.shape_cast %get3A_284 : vector<1x16xf32> to vector<16xf32>
        %mul3A_286 = arith.mulf %get3A_285, %broadcast_in_dim3A : vector<16xf32>
        %swap3A_287 = arith.index_cast %scan3A_87 : i32 to index
        %swap3A_288 = arith.constant 304 : index
        %swap3A_289 = tpu.vector_load %arg10[%swap3A_287, %swap3A_288] {strides = array<i32>} : memref<64x768xf32, #tpu.memory_space<vmem>>, vector<1x16xf32>,
        %swap3A_290 = vector.shape_cast %swap3A_289 : vector<1x16xf32> to vector<16xf32>
        %swap3A_291 = vector.shape_cast %mul3A_286 : vector<16xf32> to vector<1x16xf32>
        tpu.vector_store %arg10[%swap3A_287, %swap3A_288], %swap3A_291 {strides = array<i32>} : memref<64x768xf32, #tpu.memory_space<vmem>>, vector<1x16xf32>,
        %get3A_292 = arith.index_cast %scan3A_87 : i32 to index
        %get3A_293 = arith.constant 320 : index
        %get3A_294 = tpu.vector_load %arg10[%get3A_292, %get3A_293] {strides = array<i32>} : memref<64x768xf32, #tpu.memory_space<vmem>>, vector<1x16xf32>,
        %get3A_295 = vector.shape_cast %get3A_294 : vector<1x16xf32> to vector<16xf32>
        %mul3A_296 = arith.mulf %get3A_295, %broadcast_in_dim3A : vector<16xf32>
        %swap3A_297 = arith.index_cast %scan3A_87 : i32 to index
        %swap3A_298 = arith.constant 320 : index
        %swap3A_299 = tpu.vector_load %arg10[%swap3A_297, %swap3A_298] {strides = array<i32>} : memref<64x768xf32, #tpu.memory_space<vmem>>, vector<1x16xf32>,
        %swap3A_300 = vector.shape_cast %swap3A_299 : vector<1x16xf32> to vector<16xf32>
        %swap3A_301 = vector.shape_cast %mul3A_296 : vector<16xf32> to vector<1x16xf32>
        tpu.vector_store %arg10[%swap3A_297, %swap3A_298], %swap3A_301 {strides = array<i32>} : memref<64x768xf32, #tpu.memory_space<vmem>>, vector<1x16xf32>,
        %get3A_302 = arith.index_cast %scan3A_87 : i32 to index
        %get3A_303 = arith.constant 336 : index
        %get3A_304 = tpu.vector_load %arg10[%get3A_302, %get3A_303] {strides = array<i32>} : memref<64x768xf32, #tpu.memory_space<vmem>>, vector<1x16xf32>,
        %get3A_305 = vector.shape_cast %get3A_304 : vector<1x16xf32> to vector<16xf32>
        %mul3A_306 = arith.mulf %get3A_305, %broadcast_in_dim3A : vector<16xf32>
        %swap3A_307 = arith.index_cast %scan3A_87 : i32 to index
        %swap3A_308 = arith.constant 336 : index
        %swap3A_309 = tpu.vector_load %arg10[%swap3A_307, %swap3A_308] {strides = array<i32>} : memref<64x768xf32, #tpu.memory_space<vmem>>, vector<1x16xf32>,
        %swap3A_310 = vector.shape_cast %swap3A_309 : vector<1x16xf32> to vector<16xf32>
        %swap3A_311 = vector.shape_cast %mul3A_306 : vector<16xf32> to vector<1x16xf32>
        tpu.vector_store %arg10[%swap3A_307, %swap3A_308], %swap3A_311 {strides = array<i32>} : memref<64x768xf32, #tpu.memory_space<vmem>>, vector<1x16xf32>,
        %get3A_312 = arith.index_cast %scan3A_87 : i32 to index
        %get3A_313 = arith.constant 352 : index
        %get3A_314 = tpu.vector_load %arg10[%get3A_312, %get3A_313] {strides = array<i32>} : memref<64x768xf32, #tpu.memory_space<vmem>>, vector<1x16xf32>,
        %get3A_315 = vector.shape_cast %get3A_314 : vector<1x16xf32> to vector<16xf32>
        %mul3A_316 = arith.mulf %get3A_315, %broadcast_in_dim3A : vector<16xf32>
        %swap3A_317 = arith.index_cast %scan3A_87 : i32 to index
        %swap3A_318 = arith.constant 352 : index
        %swap3A_319 = tpu.vector_load %arg10[%swap3A_317, %swap3A_318] {strides = array<i32>} : memref<64x768xf32, #tpu.memory_space<vmem>>, vector<1x16xf32>,
        %swap3A_320 = vector.shape_cast %swap3A_319 : vector<1x16xf32> to vector<16xf32>
        %swap3A_321 = vector.shape_cast %mul3A_316 : vector<16xf32> to vector<1x16xf32>
        tpu.vector_store %arg10[%swap3A_317, %swap3A_318], %swap3A_321 {strides = array<i32>} : memref<64x768xf32, #tpu.memory_space<vmem>>, vector<1x16xf32>,
        %get3A_322 = arith.index_cast %scan3A_87 : i32 to index
        %get3A_323 = arith.constant 368 : index
        %get3A_324 = tpu.vector_load %arg10[%get3A_322, %get3A_323] {strides = array<i32>} : memref<64x768xf32, #tpu.memory_space<vmem>>, vector<1x16xf32>,
        %get3A_325 = vector.shape_cast %get3A_324 : vector<1x16xf32> to vector<16xf32>
        %mul3A_326 = arith.mulf %get3A_325, %broadcast_in_dim3A : vector<16xf32>
        %swap3A_327 = arith.index_cast %scan3A_87 : i32 to index
        %swap3A_328 = arith.constant 368 : index
        %swap3A_329 = tpu.vector_load %arg10[%swap3A_327, %swap3A_328] {strides = array<i32>} : memref<64x768xf32, #tpu.memory_space<vmem>>, vector<1x16xf32>,
        %swap3A_330 = vector.shape_cast %swap3A_329 : vector<1x16xf32> to vector<16xf32>
        %swap3A_331 = vector.shape_cast %mul3A_326 : vector<16xf32> to vector<1x16xf32>
        tpu.vector_store %arg10[%swap3A_327, %swap3A_328], %swap3A_331 {strides = array<i32>} : memref<64x768xf32, #tpu.memory_space<vmem>>, vector<1x16xf32>,
        %get3A_332 = arith.index_cast %scan3A_87 : i32 to index
        %get3A_333 = arith.constant 384 : index
        %get3A_334 = tpu.vector_load %arg10[%get3A_332, %get3A_333] {strides = array<i32>} : memref<64x768xf32, #tpu.memory_space<vmem>>, vector<1x16xf32>,
        %get3A_335 = vector.shape_cast %get3A_334 : vector<1x16xf32> to vector<16xf32>
        %mul3A_336 = arith.mulf %get3A_335, %broadcast_in_dim3A : vector<16xf32>
        %swap3A_337 = arith.index_cast %scan3A_87 : i32 to index
        %swap3A_338 = arith.constant 384 : index
        %swap3A_339 = tpu.vector_load %arg10[%swap3A_337, %swap3A_338] {strides = array<i32>} : memref<64x768xf32, #tpu.memory_space<vmem>>, vector<1x16xf32>,
        %swap3A_340 = vector.shape_cast %swap3A_339 : vector<1x16xf32> to vector<16xf32>
        %swap3A_341 = vector.shape_cast %mul3A_336 : vector<16xf32> to vector<1x16xf32>
        tpu.vector_store %arg10[%swap3A_337, %swap3A_338], %swap3A_341 {strides = array<i32>} : memref<64x768xf32, #tpu.memory_space<vmem>>, vector<1x16xf32>,
        %get3A_342 = arith.index_cast %scan3A_87 : i32 to index
        %get3A_343 = arith.constant 400 : index
        %get3A_344 = tpu.vector_load %arg10[%get3A_342, %get3A_343] {strides = array<i32>} : memref<64x768xf32, #tpu.memory_space<vmem>>, vector<1x16xf32>,
        %get3A_345 = vector.shape_cast %get3A_344 : vector<1x16xf32> to vector<16xf32>
        %mul3A_346 = arith.mulf %get3A_345, %broadcast_in_dim3A : vector<16xf32>
        %swap3A_347 = arith.index_cast %scan3A_87 : i32 to index
        %swap3A_348 = arith.constant 400 : index
        %swap3A_349 = tpu.vector_load %arg10[%swap3A_347, %swap3A_348] {strides = array<i32>} : memref<64x768xf32, #tpu.memory_space<vmem>>, vector<1x16xf32>,
        %swap3A_350 = vector.shape_cast %swap3A_349 : vector<1x16xf32> to vector<16xf32>
        %swap3A_351 = vector.shape_cast %mul3A_346 : vector<16xf32> to vector<1x16xf32>
        tpu.vector_store %arg10[%swap3A_347, %swap3A_348], %swap3A_351 {strides = array<i32>} : memref<64x768xf32, #tpu.memory_space<vmem>>, vector<1x16xf32>,
        %get3A_352 = arith.index_cast %scan3A_87 : i32 to index
        %get3A_353 = arith.constant 416 : index
        %get3A_354 = tpu.vector_load %arg10[%get3A_352, %get3A_353] {strides = array<i32>} : memref<64x768xf32, #tpu.memory_space<vmem>>, vector<1x16xf32>,
        %get3A_355 = vector.shape_cast %get3A_354 : vector<1x16xf32> to vector<16xf32>
        %mul3A_356 = arith.mulf %get3A_355, %broadcast_in_dim3A : vector<16xf32>
        %swap3A_357 = arith.index_cast %scan3A_87 : i32 to index
        %swap3A_358 = arith.constant 416 : index
        %swap3A_359 = tpu.vector_load %arg10[%swap3A_357, %swap3A_358] {strides = array<i32>} : memref<64x768xf32, #tpu.memory_space<vmem>>, vector<1x16xf32>,
        %swap3A_360 = vector.shape_cast %swap3A_359 : vector<1x16xf32> to vector<16xf32>
        %swap3A_361 = vector.shape_cast %mul3A_356 : vector<16xf32> to vector<1x16xf32>
        tpu.vector_store %arg10[%swap3A_357, %swap3A_358], %swap3A_361 {strides = array<i32>} : memref<64x768xf32, #tpu.memory_space<vmem>>, vector<1x16xf32>,
        %get3A_362 = arith.index_cast %scan3A_87 : i32 to index
        %get3A_363 = arith.constant 432 : index
        %get3A_364 = tpu.vector_load %arg10[%get3A_362, %get3A_363] {strides = array<i32>} : memref<64x768xf32, #tpu.memory_space<vmem>>, vector<1x16xf32>,
        %get3A_365 = vector.shape_cast %get3A_364 : vector<1x16xf32> to vector<16xf32>
        %mul3A_366 = arith.mulf %get3A_365, %broadcast_in_dim3A : vector<16xf32>
        %swap3A_367 = arith.index_cast %scan3A_87 : i32 to index
        %swap3A_368 = arith.constant 432 : index
        %swap3A_369 = tpu.vector_load %arg10[%swap3A_367, %swap3A_368] {strides = array<i32>} : memref<64x768xf32, #tpu.memory_space<vmem>>, vector<1x16xf32>,
        %swap3A_370 = vector.shape_cast %swap3A_369 : vector<1x16xf32> to vector<16xf32>
        %swap3A_371 = vector.shape_cast %mul3A_366 : vector<16xf32> to vector<1x16xf32>
        tpu.vector_store %arg10[%swap3A_367, %swap3A_368], %swap3A_371 {strides = array<i32>} : memref<64x768xf32, #tpu.memory_space<vmem>>, vector<1x16xf32>,
        %get3A_372 = arith.index_cast %scan3A_87 : i32 to index
        %get3A_373 = arith.constant 448 : index
        %get3A_374 = tpu.vector_load %arg10[%get3A_372, %get3A_373] {strides = array<i32>} : memref<64x768xf32, #tpu.memory_space<vmem>>, vector<1x16xf32>,
        %get3A_375 = vector.shape_cast %get3A_374 : vector<1x16xf32> to vector<16xf32>
        %mul3A_376 = arith.mulf %get3A_375, %broadcast_in_dim3A : vector<16xf32>
        %swap3A_377 = arith.index_cast %scan3A_87 : i32 to index
        %swap3A_378 = arith.constant 448 : index
        %swap3A_379 = tpu.vector_load %arg10[%swap3A_377, %swap3A_378] {strides = array<i32>} : memref<64x768xf32, #tpu.memory_space<vmem>>, vector<1x16xf32>,
        %swap3A_380 = vector.shape_cast %swap3A_379 : vector<1x16xf32> to vector<16xf32>
        %swap3A_381 = vector.shape_cast %mul3A_376 : vector<16xf32> to vector<1x16xf32>
        tpu.vector_store %arg10[%swap3A_377, %swap3A_378], %swap3A_381 {strides = array<i32>} : memref<64x768xf32, #tpu.memory_space<vmem>>, vector<1x16xf32>,
        %get3A_382 = arith.index_cast %scan3A_87 : i32 to index
        %get3A_383 = arith.constant 464 : index
        %get3A_384 = tpu.vector_load %arg10[%get3A_382, %get3A_383] {strides = array<i32>} : memref<64x768xf32, #tpu.memory_space<vmem>>, vector<1x16xf32>,
        %get3A_385 = vector.shape_cast %get3A_384 : vector<1x16xf32> to vector<16xf32>
        %mul3A_386 = arith.mulf %get3A_385, %broadcast_in_dim3A : vector<16xf32>
        %swap3A_387 = arith.index_cast %scan3A_87 : i32 to index
        %swap3A_388 = arith.constant 464 : index
        %swap3A_389 = tpu.vector_load %arg10[%swap3A_387, %swap3A_388] {strides = array<i32>} : memref<64x768xf32, #tpu.memory_space<vmem>>, vector<1x16xf32>,
        %swap3A_390 = vector.shape_cast %swap3A_389 : vector<1x16xf32> to vector<16xf32>
        %swap3A_391 = vector.shape_cast %mul3A_386 : vector<16xf32> to vector<1x16xf32>
        tpu.vector_store %arg10[%swap3A_387, %swap3A_388], %swap3A_391 {strides = array<i32>} : memref<64x768xf32, #tpu.memory_space<vmem>>, vector<1x16xf32>,
        %get3A_392 = arith.index_cast %scan3A_87 : i32 to index
        %get3A_393 = arith.constant 480 : index
        %get3A_394 = tpu.vector_load %arg10[%get3A_392, %get3A_393] {strides = array<i32>} : memref<64x768xf32, #tpu.memory_space<vmem>>, vector<1x16xf32>,
        %get3A_395 = vector.shape_cast %get3A_394 : vector<1x16xf32> to vector<16xf32>
        %mul3A_396 = arith.mulf %get3A_395, %broadcast_in_dim3A : vector<16xf32>
        %swap3A_397 = arith.index_cast %scan3A_87 : i32 to index
        %swap3A_398 = arith.constant 480 : index
        %swap3A_399 = tpu.vector_load %arg10[%swap3A_397, %swap3A_398] {strides = array<i32>} : memref<64x768xf32, #tpu.memory_space<vmem>>, vector<1x16xf32>,
        %swap3A_400 = vector.shape_cast %swap3A_399 : vector<1x16xf32> to vector<16xf32>
        %swap3A_401 = vector.shape_cast %mul3A_396 : vector<16xf32> to vector<1x16xf32>
        tpu.vector_store %arg10[%swap3A_397, %swap3A_398], %swap3A_401 {strides = array<i32>} : memref<64x768xf32, #tpu.memory_space<vmem>>, vector<1x16xf32>,
        %get3A_402 = arith.index_cast %scan3A_87 : i32 to index
        %get3A_403 = arith.constant 496 : index
        %get3A_404 = tpu.vector_load %arg10[%get3A_402, %get3A_403] {strides = array<i32>} : memref<64x768xf32, #tpu.memory_space<vmem>>, vector<1x16xf32>,
        %get3A_405 = vector.shape_cast %get3A_404 : vector<1x16xf32> to vector<16xf32>
        %mul3A_406 = arith.mulf %get3A_405, %broadcast_in_dim3A : vector<16xf32>
        %swap3A_407 = arith.index_cast %scan3A_87 : i32 to index
        %swap3A_408 = arith.constant 496 : index
        %swap3A_409 = tpu.vector_load %arg10[%swap3A_407, %swap3A_408] {strides = array<i32>} : memref<64x768xf32, #tpu.memory_space<vmem>>, vector<1x16xf32>,
        %swap3A_410 = vector.shape_cast %swap3A_409 : vector<1x16xf32> to vector<16xf32>
        %swap3A_411 = vector.shape_cast %mul3A_406 : vector<16xf32> to vector<1x16xf32>
        tpu.vector_store %arg10[%swap3A_407, %swap3A_408], %swap3A_411 {strides = array<i32>} : memref<64x768xf32, #tpu.memory_space<vmem>>, vector<1x16xf32>,
        %get3A_412 = arith.index_cast %scan3A_87 : i32 to index
        %get3A_413 = arith.constant 512 : index
        %get3A_414 = tpu.vector_load %arg10[%get3A_412, %get3A_413] {strides = array<i32>} : memref<64x768xf32, #tpu.memory_space<vmem>>, vector<1x16xf32>,
        %get3A_415 = vector.shape_cast %get3A_414 : vector<1x16xf32> to vector<16xf32>
        %mul3A_416 = arith.mulf %get3A_415, %broadcast_in_dim3A : vector<16xf32>
        %swap3A_417 = arith.index_cast %scan3A_87 : i32 to index
        %swap3A_418 = arith.constant 512 : index
        %swap3A_419 = tpu.vector_load %arg10[%swap3A_417, %swap3A_418] {strides = array<i32>} : memref<64x768xf32, #tpu.memory_space<vmem>>, vector<1x16xf32>,
        %swap3A_420 = vector.shape_cast %swap3A_419 : vector<1x16xf32> to vector<16xf32>
        %swap3A_421 = vector.shape_cast %mul3A_416 : vector<16xf32> to vector<1x16xf32>
        tpu.vector_store %arg10[%swap3A_417, %swap3A_418], %swap3A_421 {strides = array<i32>} : memref<64x768xf32, #tpu.memory_space<vmem>>, vector<1x16xf32>,
        %get3A_422 = arith.index_cast %scan3A_87 : i32 to index
        %get3A_423 = arith.constant 528 : index
        %get3A_424 = tpu.vector_load %arg10[%get3A_422, %get3A_423] {strides = array<i32>} : memref<64x768xf32, #tpu.memory_space<vmem>>, vector<1x16xf32>,
        %get3A_425 = vector.shape_cast %get3A_424 : vector<1x16xf32> to vector<16xf32>
        %mul3A_426 = arith.mulf %get3A_425, %broadcast_in_dim3A : vector<16xf32>
        %swap3A_427 = arith.index_cast %scan3A_87 : i32 to index
        %swap3A_428 = arith.constant 528 : index
        %swap3A_429 = tpu.vector_load %arg10[%swap3A_427, %swap3A_428] {strides = array<i32>} : memref<64x768xf32, #tpu.memory_space<vmem>>, vector<1x16xf32>,
        %swap3A_430 = vector.shape_cast %swap3A_429 : vector<1x16xf32> to vector<16xf32>
        %swap3A_431 = vector.shape_cast %mul3A_426 : vector<16xf32> to vector<1x16xf32>
        tpu.vector_store %arg10[%swap3A_427, %swap3A_428], %swap3A_431 {strides = array<i32>} : memref<64x768xf32, #tpu.memory_space<vmem>>, vector<1x16xf32>,
        %get3A_432 = arith.index_cast %scan3A_87 : i32 to index
        %get3A_433 = arith.constant 544 : index
        %get3A_434 = tpu.vector_load %arg10[%get3A_432, %get3A_433] {strides = array<i32>} : memref<64x768xf32, #tpu.memory_space<vmem>>, vector<1x16xf32>,
        %get3A_435 = vector.shape_cast %get3A_434 : vector<1x16xf32> to vector<16xf32>
        %mul3A_436 = arith.mulf %get3A_435, %broadcast_in_dim3A : vector<16xf32>
        %swap3A_437 = arith.index_cast %scan3A_87 : i32 to index
        %swap3A_438 = arith.constant 544 : index
        %swap3A_439 = tpu.vector_load %arg10[%swap3A_437, %swap3A_438] {strides = array<i32>} : memref<64x768xf32, #tpu.memory_space<vmem>>, vector<1x16xf32>,
        %swap3A_440 = vector.shape_cast %swap3A_439 : vector<1x16xf32> to vector<16xf32>
        %swap3A_441 = vector.shape_cast %mul3A_436 : vector<16xf32> to vector<1x16xf32>
        tpu.vector_store %arg10[%swap3A_437, %swap3A_438], %swap3A_441 {strides = array<i32>} : memref<64x768xf32, #tpu.memory_space<vmem>>, vector<1x16xf32>,
        %get3A_442 = arith.index_cast %scan3A_87 : i32 to index
        %get3A_443 = arith.constant 560 : index
        %get3A_444 = tpu.vector_load %arg10[%get3A_442, %get3A_443] {strides = array<i32>} : memref<64x768xf32, #tpu.memory_space<vmem>>, vector<1x16xf32>,
        %get3A_445 = vector.shape_cast %get3A_444 : vector<1x16xf32> to vector<16xf32>
        %mul3A_446 = arith.mulf %get3A_445, %broadcast_in_dim3A : vector<16xf32>
        %swap3A_447 = arith.index_cast %scan3A_87 : i32 to index
        %swap3A_448 = arith.constant 560 : index
        %swap3A_449 = tpu.vector_load %arg10[%swap3A_447, %swap3A_448] {strides = array<i32>} : memref<64x768xf32, #tpu.memory_space<vmem>>, vector<1x16xf32>,
        %swap3A_450 = vector.shape_cast %swap3A_449 : vector<1x16xf32> to vector<16xf32>
        %swap3A_451 = vector.shape_cast %mul3A_446 : vector<16xf32> to vector<1x16xf32>
        tpu.vector_store %arg10[%swap3A_447, %swap3A_448], %swap3A_451 {strides = array<i32>} : memref<64x768xf32, #tpu.memory_space<vmem>>, vector<1x16xf32>,
        %get3A_452 = arith.index_cast %scan3A_87 : i32 to index
        %get3A_453 = arith.constant 576 : index
        %get3A_454 = tpu.vector_load %arg10[%get3A_452, %get3A_453] {strides = array<i32>} : memref<64x768xf32, #tpu.memory_space<vmem>>, vector<1x16xf32>,
        %get3A_455 = vector.shape_cast %get3A_454 : vector<1x16xf32> to vector<16xf32>
        %mul3A_456 = arith.mulf %get3A_455, %broadcast_in_dim3A : vector<16xf32>
        %swap3A_457 = arith.index_cast %scan3A_87 : i32 to index
        %swap3A_458 = arith.constant 576 : index
        %swap3A_459 = tpu.vector_load %arg10[%swap3A_457, %swap3A_458] {strides = array<i32>} : memref<64x768xf32, #tpu.memory_space<vmem>>, vector<1x16xf32>,
        %swap3A_460 = vector.shape_cast %swap3A_459 : vector<1x16xf32> to vector<16xf32>
        %swap3A_461 = vector.shape_cast %mul3A_456 : vector<16xf32> to vector<1x16xf32>
        tpu.vector_store %arg10[%swap3A_457, %swap3A_458], %swap3A_461 {strides = array<i32>} : memref<64x768xf32, #tpu.memory_space<vmem>>, vector<1x16xf32>,
        %get3A_462 = arith.index_cast %scan3A_87 : i32 to index
        %get3A_463 = arith.constant 592 : index
        %get3A_464 = tpu.vector_load %arg10[%get3A_462, %get3A_463] {strides = array<i32>} : memref<64x768xf32, #tpu.memory_space<vmem>>, vector<1x16xf32>,
        %get3A_465 = vector.shape_cast %get3A_464 : vector<1x16xf32> to vector<16xf32>
        %mul3A_466 = arith.mulf %get3A_465, %broadcast_in_dim3A : vector<16xf32>
        %swap3A_467 = arith.index_cast %scan3A_87 : i32 to index
        %swap3A_468 = arith.constant 592 : index
        %swap3A_469 = tpu.vector_load %arg10[%swap3A_467, %swap3A_468] {strides = array<i32>} : memref<64x768xf32, #tpu.memory_space<vmem>>, vector<1x16xf32>,
        %swap3A_470 = vector.shape_cast %swap3A_469 : vector<1x16xf32> to vector<16xf32>
        %swap3A_471 = vector.shape_cast %mul3A_466 : vector<16xf32> to vector<1x16xf32>
        tpu.vector_store %arg10[%swap3A_467, %swap3A_468], %swap3A_471 {strides = array<i32>} : memref<64x768xf32, #tpu.memory_space<vmem>>, vector<1x16xf32>,
        %get3A_472 = arith.index_cast %scan3A_87 : i32 to index
        %get3A_473 = arith.constant 608 : index
        %get3A_474 = tpu.vector_load %arg10[%get3A_472, %get3A_473] {strides = array<i32>} : memref<64x768xf32, #tpu.memory_space<vmem>>, vector<1x16xf32>,
        %get3A_475 = vector.shape_cast %get3A_474 : vector<1x16xf32> to vector<16xf32>
        %mul3A_476 = arith.mulf %get3A_475, %broadcast_in_dim3A : vector<16xf32>
        %swap3A_477 = arith.index_cast %scan3A_87 : i32 to index
        %swap3A_478 = arith.constant 608 : index
        %swap3A_479 = tpu.vector_load %arg10[%swap3A_477, %swap3A_478] {strides = array<i32>} : memref<64x768xf32, #tpu.memory_space<vmem>>, vector<1x16xf32>,
        %swap3A_480 = vector.shape_cast %swap3A_479 : vector<1x16xf32> to vector<16xf32>
        %swap3A_481 = vector.shape_cast %mul3A_476 : vector<16xf32> to vector<1x16xf32>
        tpu.vector_store %arg10[%swap3A_477, %swap3A_478], %swap3A_481 {strides = array<i32>} : memref<64x768xf32, #tpu.memory_space<vmem>>, vector<1x16xf32>,
        %get3A_482 = arith.index_cast %scan3A_87 : i32 to index
        %get3A_483 = arith.constant 624 : index
        %get3A_484 = tpu.vector_load %arg10[%get3A_482, %get3A_483] {strides = array<i32>} : memref<64x768xf32, #tpu.memory_space<vmem>>, vector<1x16xf32>,
        %get3A_485 = vector.shape_cast %get3A_484 : vector<1x16xf32> to vector<16xf32>
        %mul3A_486 = arith.mulf %get3A_485, %broadcast_in_dim3A : vector<16xf32>
        %swap3A_487 = arith.index_cast %scan3A_87 : i32 to index
        %swap3A_488 = arith.constant 624 : index
        %swap3A_489 = tpu.vector_load %arg10[%swap3A_487, %swap3A_488] {strides = array<i32>} : memref<64x768xf32, #tpu.memory_space<vmem>>, vector<1x16xf32>,
        %swap3A_490 = vector.shape_cast %swap3A_489 : vector<1x16xf32> to vector<16xf32>
        %swap3A_491 = vector.shape_cast %mul3A_486 : vector<16xf32> to vector<1x16xf32>
        tpu.vector_store %arg10[%swap3A_487, %swap3A_488], %swap3A_491 {strides = array<i32>} : memref<64x768xf32, #tpu.memory_space<vmem>>, vector<1x16xf32>,
        %get3A_492 = arith.index_cast %scan3A_87 : i32 to index
        %get3A_493 = arith.constant 640 : index
        %get3A_494 = tpu.vector_load %arg10[%get3A_492, %get3A_493] {strides = array<i32>} : memref<64x768xf32, #tpu.memory_space<vmem>>, vector<1x16xf32>,
        %get3A_495 = vector.shape_cast %get3A_494 : vector<1x16xf32> to vector<16xf32>
        %mul3A_496 = arith.mulf %get3A_495, %broadcast_in_dim3A : vector<16xf32>
        %swap3A_497 = arith.index_cast %scan3A_87 : i32 to index
        %swap3A_498 = arith.constant 640 : index
        %swap3A_499 = tpu.vector_load %arg10[%swap3A_497, %swap3A_498] {strides = array<i32>} : memref<64x768xf32, #tpu.memory_space<vmem>>, vector<1x16xf32>,
        %swap3A_500 = vector.shape_cast %swap3A_499 : vector<1x16xf32> to vector<16xf32>
        %swap3A_501 = vector.shape_cast %mul3A_496 : vector<16xf32> to vector<1x16xf32>
        tpu.vector_store %arg10[%swap3A_497, %swap3A_498], %swap3A_501 {strides = array<i32>} : memref<64x768xf32, #tpu.memory_space<vmem>>, vector<1x16xf32>,
        %get3A_502 = arith.index_cast %scan3A_87 : i32 to index
        %get3A_503 = arith.constant 656 : index
        %get3A_504 = tpu.vector_load %arg10[%get3A_502, %get3A_503] {strides = array<i32>} : memref<64x768xf32, #tpu.memory_space<vmem>>, vector<1x16xf32>,
        %get3A_505 = vector.shape_cast %get3A_504 : vector<1x16xf32> to vector<16xf32>
        %mul3A_506 = arith.mulf %get3A_505, %broadcast_in_dim3A : vector<16xf32>
        %swap3A_507 = arith.index_cast %scan3A_87 : i32 to index
        %swap3A_508 = arith.constant 656 : index
        %swap3A_509 = tpu.vector_load %arg10[%swap3A_507, %swap3A_508] {strides = array<i32>} : memref<64x768xf32, #tpu.memory_space<vmem>>, vector<1x16xf32>,
        %swap3A_510 = vector.shape_cast %swap3A_509 : vector<1x16xf32> to vector<16xf32>
        %swap3A_511 = vector.shape_cast %mul3A_506 : vector<16xf32> to vector<1x16xf32>
        tpu.vector_store %arg10[%swap3A_507, %swap3A_508], %swap3A_511 {strides = array<i32>} : memref<64x768xf32, #tpu.memory_space<vmem>>, vector<1x16xf32>,
        %get3A_512 = arith.index_cast %scan3A_87 : i32 to index
        %get3A_513 = arith.constant 672 : index
        %get3A_514 = tpu.vector_load %arg10[%get3A_512, %get3A_513] {strides = array<i32>} : memref<64x768xf32, #tpu.memory_space<vmem>>, vector<1x16xf32>,
        %get3A_515 = vector.shape_cast %get3A_514 : vector<1x16xf32> to vector<16xf32>
        %mul3A_516 = arith.mulf %get3A_515, %broadcast_in_dim3A : vector<16xf32>
        %swap3A_517 = arith.index_cast %scan3A_87 : i32 to index
        %swap3A_518 = arith.constant 672 : index
        %swap3A_519 = tpu.vector_load %arg10[%swap3A_517, %swap3A_518] {strides = array<i32>} : memref<64x768xf32, #tpu.memory_space<vmem>>, vector<1x16xf32>,
        %swap3A_520 = vector.shape_cast %swap3A_519 : vector<1x16xf32> to vector<16xf32>
        %swap3A_521 = vector.shape_cast %mul3A_516 : vector<16xf32> to vector<1x16xf32>
        tpu.vector_store %arg10[%swap3A_517, %swap3A_518], %swap3A_521 {strides = array<i32>} : memref<64x768xf32, #tpu.memory_space<vmem>>, vector<1x16xf32>,
        %get3A_522 = arith.index_cast %scan3A_87 : i32 to index
        %get3A_523 = arith.constant 688 : index
        %get3A_524 = tpu.vector_load %arg10[%get3A_522, %get3A_523] {strides = array<i32>} : memref<64x768xf32, #tpu.memory_space<vmem>>, vector<1x16xf32>,
        %get3A_525 = vector.shape_cast %get3A_524 : vector<1x16xf32> to vector<16xf32>
        %mul3A_526 = arith.mulf %get3A_525, %broadcast_in_dim3A : vector<16xf32>
        %swap3A_527 = arith.index_cast %scan3A_87 : i32 to index
        %swap3A_528 = arith.constant 688 : index
        %swap3A_529 = tpu.vector_load %arg10[%swap3A_527, %swap3A_528] {strides = array<i32>} : memref<64x768xf32, #tpu.memory_space<vmem>>, vector<1x16xf32>,
        %swap3A_530 = vector.shape_cast %swap3A_529 : vector<1x16xf32> to vector<16xf32>
        %swap3A_531 = vector.shape_cast %mul3A_526 : vector<16xf32> to vector<1x16xf32>
        tpu.vector_store %arg10[%swap3A_527, %swap3A_528], %swap3A_531 {strides = array<i32>} : memref<64x768xf32, #tpu.memory_space<vmem>>, vector<1x16xf32>,
        %get3A_532 = arith.index_cast %scan3A_87 : i32 to index
        %get3A_533 = arith.constant 704 : index
        %get3A_534 = tpu.vector_load %arg10[%get3A_532, %get3A_533] {strides = array<i32>} : memref<64x768xf32, #tpu.memory_space<vmem>>, vector<1x16xf32>,
        %get3A_535 = vector.shape_cast %get3A_534 : vector<1x16xf32> to vector<16xf32>
        %mul3A_536 = arith.mulf %get3A_535, %broadcast_in_dim3A : vector<16xf32>
        %swap3A_537 = arith.index_cast %scan3A_87 : i32 to index
        %swap3A_538 = arith.constant 704 : index
        %swap3A_539 = tpu.vector_load %arg10[%swap3A_537, %swap3A_538] {strides = array<i32>} : memref<64x768xf32, #tpu.memory_space<vmem>>, vector<1x16xf32>,
        %swap3A_540 = vector.shape_cast %swap3A_539 : vector<1x16xf32> to vector<16xf32>
        %swap3A_541 = vector.shape_cast %mul3A_536 : vector<16xf32> to vector<1x16xf32>
        tpu.vector_store %arg10[%swap3A_537, %swap3A_538], %swap3A_541 {strides = array<i32>} : memref<64x768xf32, #tpu.memory_space<vmem>>, vector<1x16xf32>,
        %get3A_542 = arith.index_cast %scan3A_87 : i32 to index
        %get3A_543 = arith.constant 720 : index
        %get3A_544 = tpu.vector_load %arg10[%get3A_542, %get3A_543] {strides = array<i32>} : memref<64x768xf32, #tpu.memory_space<vmem>>, vector<1x16xf32>,
        %get3A_545 = vector.shape_cast %get3A_544 : vector<1x16xf32> to vector<16xf32>
        %mul3A_546 = arith.mulf %get3A_545, %broadcast_in_dim3A : vector<16xf32>
        %swap3A_547 = arith.index_cast %scan3A_87 : i32 to index
        %swap3A_548 = arith.constant 720 : index
        %swap3A_549 = tpu.vector_load %arg10[%swap3A_547, %swap3A_548] {strides = array<i32>} : memref<64x768xf32, #tpu.memory_space<vmem>>, vector<1x16xf32>,
        %swap3A_550 = vector.shape_cast %swap3A_549 : vector<1x16xf32> to vector<16xf32>
        %swap3A_551 = vector.shape_cast %mul3A_546 : vector<16xf32> to vector<1x16xf32>
        tpu.vector_store %arg10[%swap3A_547, %swap3A_548], %swap3A_551 {strides = array<i32>} : memref<64x768xf32, #tpu.memory_space<vmem>>, vector<1x16xf32>,
        %get3A_552 = arith.index_cast %scan3A_87 : i32 to index
        %get3A_553 = arith.constant 736 : index
        %get3A_554 = tpu.vector_load %arg10[%get3A_552, %get3A_553] {strides = array<i32>} : memref<64x768xf32, #tpu.memory_space<vmem>>, vector<1x16xf32>,
        %get3A_555 = vector.shape_cast %get3A_554 : vector<1x16xf32> to vector<16xf32>
        %mul3A_556 = arith.mulf %get3A_555, %broadcast_in_dim3A : vector<16xf32>
        %swap3A_557 = arith.index_cast %scan3A_87 : i32 to index
        %swap3A_558 = arith.constant 736 : index
        %swap3A_559 = tpu.vector_load %arg10[%swap3A_557, %swap3A_558] {strides = array<i32>} : memref<64x768xf32, #tpu.memory_space<vmem>>, vector<1x16xf32>,
        %swap3A_560 = vector.shape_cast %swap3A_559 : vector<1x16xf32> to vector<16xf32>
        %swap3A_561 = vector.shape_cast %mul3A_556 : vector<16xf32> to vector<1x16xf32>
        tpu.vector_store %arg10[%swap3A_557, %swap3A_558], %swap3A_561 {strides = array<i32>} : memref<64x768xf32, #tpu.memory_space<vmem>>, vector<1x16xf32>,
        %get3A_562 = arith.index_cast %scan3A_87 : i32 to index
        %get3A_563 = arith.constant 752 : index
        %get3A_564 = tpu.vector_load %arg10[%get3A_562, %get3A_563] {strides = array<i32>} : memref<64x768xf32, #tpu.memory_space<vmem>>, vector<1x16xf32>,
        %get3A_565 = vector.shape_cast %get3A_564 : vector<1x16xf32> to vector<16xf32>
        %mul3A_566 = arith.mulf %get3A_565, %broadcast_in_dim3A : vector<16xf32>
        %swap3A_567 = arith.index_cast %scan3A_87 : i32 to index
        %swap3A_568 = arith.constant 752 : index
        %swap3A_569 = tpu.vector_load %arg10[%swap3A_567, %swap3A_568] {strides = array<i32>} : memref<64x768xf32, #tpu.memory_space<vmem>>, vector<1x16xf32>,
        %swap3A_570 = vector.shape_cast %swap3A_569 : vector<1x16xf32> to vector<16xf32>
        %swap3A_571 = vector.shape_cast %mul3A_566 : vector<16xf32> to vector<1x16xf32>
        tpu.vector_store %arg10[%swap3A_567, %swap3A_568], %swap3A_571 {strides = array<i32>} : memref<64x768xf32, #tpu.memory_space<vmem>>, vector<1x16xf32>,
      }
      %scan3A_49 = arith.constant 64 : i32
      %mul3A_50 = arith.constant 64 : i32
      %mul3A_51 = arith.muli %add3A_33, %mul3A_50 : i32
      %add3A_52 = arith.addi %mul3A_2, %mul3A_51 : i32
      %dma_start3A_53 = arith.constant 0 : i32
      %dma_start3A_54 = tpu.memref_slice %arg6[%add3A_52, %dma_start3A_53] : memref<65536x768xf32, #tpu.memory_space<hbm>> -> memref<64x768xf32, #tpu.memory_space<hbm>>
      %dma_start3A_55 = arith.constant 0 : i32
      %dma_start3A_56 = tpu.memref_slice %arg6[%add3A_52, %dma_start3A_55] : memref<65536x768xf32, #tpu.memory_space<hbm>> -> memref<64x768xf32, #tpu.memory_space<hbm>>
      tpu.enqueue_dma source(%arg10 : memref<64x768xf32, #tpu.memory_space<vmem>>) target(%dma_start3A_56 : memref<64x768xf32, #tpu.memory_space<hbm>>) target_semaphore(%arg14 : memref<!tpu.dma_semaphore, #tpu.memory_space<semaphore_mem>>)
      %mul3A_57 = arith.constant 2 : i32
      %mul3A_58 = arith.muli %scan3A_29, %mul3A_57 : i32
      %add3A_59 = arith.constant 1 : i32
      %add3A_60 = arith.addi %mul3A_58, %add3A_59 : i32
      %mul3A_61 = arith.constant 64 : i32
      %mul3A_62 = arith.muli %add3A_60, %mul3A_61 : i32
      %dma_wait3A_63 = tpu.memref_slice %arg7[%mul3A_62] : memref<2048xi32, #tpu.memory_space<vmem>> -> memref<64xi32, #tpu.memory_space<vmem>>
      %dma_wait3A_64 = arith.constant 0 : i32
      %dma_wait3A_65 = arith.constant 0 : i32
      %dma_wait3A_66 = tpu.memref_slice %arg5[%dma_wait3A_64, %dma_wait3A_65] : memref<196608x768xf32, #tpu.memory_space<hbm>> -> memref<196608x768xf32, #tpu.memory_space<hbm>>
      tpu.wait_indirect_dma semaphore(%arg13 : memref<!tpu.dma_semaphore, #tpu.memory_space<semaphore_mem>>) src(%dma_wait3A_66 : memref<196608x768xf32, #tpu.memory_space<hbm>>) dst(%arg11 : memref<64x768xf32, #tpu.memory_space<vmem>>)
      %add3A_67 = arith.constant 1 : i32
      %add3A_68 = arith.addi %add3A_60, %add3A_67 : i32
      %lt3A_69 = arith.constant 32 : i32
      %lt3A_70 = arith.cmpi slt, %add3A_68, %lt3A_69 : i32
      %convert_element_type3A_71 = arith.extui %lt3A_70 : i1 to i32
      %cond3A_72 = arith.constant 0 : i32
      %cond3A_73 = arith.cmpi ne, %convert_element_type3A_71, %cond3A_72 : i32
      scf.if %cond3A_73 {
        %ge3A = arith.constant 1 : i32
        %ge3A_87 = arith.cmpi sge, %add3A_60, %ge3A : i32
        %convert_element_type3A_88 = arith.extui %ge3A_87 : i1 to i32
        %cond3A_89 = arith.constant 0 : i32
        %cond3A_90 = arith.cmpi ne, %convert_element_type3A_88, %cond3A_89 : i32
        scf.if %cond3A_90 {
          %sub3A = arith.constant 1 : i32
          %sub3A_99 = arith.subi %add3A_60, %sub3A : i32
          %mul3A_100 = arith.constant 64 : i32
          %mul3A_101 = arith.muli %sub3A_99, %mul3A_100 : i32
          %add3A_102 = arith.addi %mul3A_2, %mul3A_101 : i32
          %dma_wait3A_103 = arith.constant 0 : i32
          %dma_wait3A_104 = tpu.memref_slice %arg6[%add3A_102, %dma_wait3A_103] : memref<65536x768xf32, #tpu.memory_space<hbm>> -> memref<64x768xf32, #tpu.memory_space<hbm>>
          %dma_wait3A_105 = arith.constant 0 : i32
          %dma_wait3A_106 = tpu.memref_slice %arg6[%add3A_102, %dma_wait3A_105] : memref<65536x768xf32, #tpu.memory_space<hbm>> -> memref<64x768xf32, #tpu.memory_space<hbm>>
          tpu.wait_dma2 semaphore(%arg14 : memref<!tpu.dma_semaphore, #tpu.memory_space<semaphore_mem>>) src(%arg10 : memref<64x768xf32, #tpu.memory_space<vmem>>) dst(%dma_wait3A_106 : memref<64x768xf32, #tpu.memory_space<hbm>>)
        } else {
        }
        %add3A_91 = arith.constant 1 : i32
        %add3A_92 = arith.addi %add3A_60, %add3A_91 : i32
        %mul3A_93 = arith.constant 64 : i32
        %mul3A_94 = arith.muli %add3A_92, %mul3A_93 : i32
        %dma_start3A_95 = tpu.memref_slice %arg7[%mul3A_94] : memref<2048xi32, #tpu.memory_space<vmem>> -> memref<64xi32, #tpu.memory_space<vmem>>
        %dma_start3A_96 = arith.constant 0 : i32
        %dma_start3A_97 = arith.constant 0 : i32
        %dma_start3A_98 = tpu.memref_slice %arg5[%dma_start3A_96, %dma_start3A_97] : memref<196608x768xf32, #tpu.memory_space<hbm>> -> memref<196608x768xf32, #tpu.memory_space<hbm>>
        tpu.enqueue_indirect_dma source(%dma_start3A_98 : memref<196608x768xf32, #tpu.memory_space<hbm>>) target(%arg10 : memref<64x768xf32, #tpu.memory_space<vmem>>) offsets(%dma_start3A_95 : memref<64xi32, #tpu.memory_space<vmem>>) semaphore(%arg12 : memref<!tpu.dma_semaphore, #tpu.memory_space<semaphore_mem>>)
      } else {
      }
      %scan3A_74 = arith.constant 0 : i32
      %scan3A_75 = arith.constant 0 : i32
      %scan3A_76 = arith.constant 64 : i32
      %scan3A_77 = arith.addi %scan3A_75, %scan3A_76 : i32
      %scan3A_78 = arith.constant 1 : i32
      scf.for %scan3A_87 = %scan3A_75 to %scan3A_77 step %scan3A_78  : i32 {
        %mul3A_88 = arith.constant 64 : i32
        %mul3A_89 = arith.muli %add3A_60, %mul3A_88 : i32
        %add3A_90 = arith.addi %mul3A_89, %scan3A_87 : i32
        %get3A = arith.index_cast %add3A_90 : i32 to index
        %get3A_91 = tpu.vector_load %arg9[%get3A] {strides = array<i32>} : memref<2064xf32, #tpu.memory_space<vmem>>, vector<16xf32>,
        %get3A_92 = vector.shape_cast %get3A_91 : vector<16xf32> to vector<16xf32>
        %slice3A = vector.extract_strided_slice %get3A_92 {offsets = [0], sizes = [1], strides = [1]} : vector<16xf32> to vector<1xf32>
        %squeeze3A = vector.extract %slice3A[0] : f32 from vector<1xf32>
        %broadcast_in_dim3A = vector.broadcast %squeeze3A : f32 to vector<16xf32>
        %get3A_93 = arith.index_cast %scan3A_87 : i32 to index
        %get3A_94 = arith.constant 0 : index
        %get3A_95 = tpu.vector_load %arg11[%get3A_93, %get3A_94] {strides = array<i32>} : memref<64x768xf32, #tpu.memory_space<vmem>>, vector<1x16xf32>,
        %get3A_96 = vector.shape_cast %get3A_95 : vector<1x16xf32> to vector<16xf32>
        %mul3A_97 = arith.mulf %get3A_96, %broadcast_in_dim3A : vector<16xf32>
        %swap3A = arith.index_cast %scan3A_87 : i32 to index
        %swap3A_98 = arith.constant 0 : index
        %swap3A_99 = tpu.vector_load %arg11[%swap3A, %swap3A_98] {strides = array<i32>} : memref<64x768xf32, #tpu.memory_space<vmem>>, vector<1x16xf32>,
        %swap3A_100 = vector.shape_cast %swap3A_99 : vector<1x16xf32> to vector<16xf32>
        %swap3A_101 = vector.shape_cast %mul3A_97 : vector<16xf32> to vector<1x16xf32>
        tpu.vector_store %arg11[%swap3A, %swap3A_98], %swap3A_101 {strides = array<i32>} : memref<64x768xf32, #tpu.memory_space<vmem>>, vector<1x16xf32>,
        %get3A_102 = arith.index_cast %scan3A_87 : i32 to index
        %get3A_103 = arith.constant 16 : index
        %get3A_104 = tpu.vector_load %arg11[%get3A_102, %get3A_103] {strides = array<i32>} : memref<64x768xf32, #tpu.memory_space<vmem>>, vector<1x16xf32>,
        %get3A_105 = vector.shape_cast %get3A_104 : vector<1x16xf32> to vector<16xf32>
        %mul3A_106 = arith.mulf %get3A_105, %broadcast_in_dim3A : vector<16xf32>
        %swap3A_107 = arith.index_cast %scan3A_87 : i32 to index
        %swap3A_108 = arith.constant 16 : index
        %swap3A_109 = tpu.vector_load %arg11[%swap3A_107, %swap3A_108] {strides = array<i32>} : memref<64x768xf32, #tpu.memory_space<vmem>>, vector<1x16xf32>,
        %swap3A_110 = vector.shape_cast %swap3A_109 : vector<1x16xf32> to vector<16xf32>
        %swap3A_111 = vector.shape_cast %mul3A_106 : vector<16xf32> to vector<1x16xf32>
        tpu.vector_store %arg11[%swap3A_107, %swap3A_108], %swap3A_111 {strides = array<i32>} : memref<64x768xf32, #tpu.memory_space<vmem>>, vector<1x16xf32>,
        %get3A_112 = arith.index_cast %scan3A_87 : i32 to index
        %get3A_113 = arith.constant 32 : index
        %get3A_114 = tpu.vector_load %arg11[%get3A_112, %get3A_113] {strides = array<i32>} : memref<64x768xf32, #tpu.memory_space<vmem>>, vector<1x16xf32>,
        %get3A_115 = vector.shape_cast %get3A_114 : vector<1x16xf32> to vector<16xf32>
        %mul3A_116 = arith.mulf %get3A_115, %broadcast_in_dim3A : vector<16xf32>
        %swap3A_117 = arith.index_cast %scan3A_87 : i32 to index
        %swap3A_118 = arith.constant 32 : index
        %swap3A_119 = tpu.vector_load %arg11[%swap3A_117, %swap3A_118] {strides = array<i32>} : memref<64x768xf32, #tpu.memory_space<vmem>>, vector<1x16xf32>,
        %swap3A_120 = vector.shape_cast %swap3A_119 : vector<1x16xf32> to vector<16xf32>
        %swap3A_121 = vector.shape_cast %mul3A_116 : vector<16xf32> to vector<1x16xf32>
        tpu.vector_store %arg11[%swap3A_117, %swap3A_118], %swap3A_121 {strides = array<i32>} : memref<64x768xf32, #tpu.memory_space<vmem>>, vector<1x16xf32>,
        %get3A_122 = arith.index_cast %scan3A_87 : i32 to index
        %get3A_123 = arith.constant 48 : index
        %get3A_124 = tpu.vector_load %arg11[%get3A_122, %get3A_123] {strides = array<i32>} : memref<64x768xf32, #tpu.memory_space<vmem>>, vector<1x16xf32>,
        %get3A_125 = vector.shape_cast %get3A_124 : vector<1x16xf32> to vector<16xf32>
        %mul3A_126 = arith.mulf %get3A_125, %broadcast_in_dim3A : vector<16xf32>
        %swap3A_127 = arith.index_cast %scan3A_87 : i32 to index
        %swap3A_128 = arith.constant 48 : index
        %swap3A_129 = tpu.vector_load %arg11[%swap3A_127, %swap3A_128] {strides = array<i32>} : memref<64x768xf32, #tpu.memory_space<vmem>>, vector<1x16xf32>,
        %swap3A_130 = vector.shape_cast %swap3A_129 : vector<1x16xf32> to vector<16xf32>
        %swap3A_131 = vector.shape_cast %mul3A_126 : vector<16xf32> to vector<1x16xf32>
        tpu.vector_store %arg11[%swap3A_127, %swap3A_128], %swap3A_131 {strides = array<i32>} : memref<64x768xf32, #tpu.memory_space<vmem>>, vector<1x16xf32>,
        %get3A_132 = arith.index_cast %scan3A_87 : i32 to index
        %get3A_133 = arith.constant 64 : index
        %get3A_134 = tpu.vector_load %arg11[%get3A_132, %get3A_133] {strides = array<i32>} : memref<64x768xf32, #tpu.memory_space<vmem>>, vector<1x16xf32>,
        %get3A_135 = vector.shape_cast %get3A_134 : vector<1x16xf32> to vector<16xf32>
        %mul3A_136 = arith.mulf %get3A_135, %broadcast_in_dim3A : vector<16xf32>
        %swap3A_137 = arith.index_cast %scan3A_87 : i32 to index
        %swap3A_138 = arith.constant 64 : index
        %swap3A_139 = tpu.vector_load %arg11[%swap3A_137, %swap3A_138] {strides = array<i32>} : memref<64x768xf32, #tpu.memory_space<vmem>>, vector<1x16xf32>,
        %swap3A_140 = vector.shape_cast %swap3A_139 : vector<1x16xf32> to vector<16xf32>
        %swap3A_141 = vector.shape_cast %mul3A_136 : vector<16xf32> to vector<1x16xf32>
        tpu.vector_store %arg11[%swap3A_137, %swap3A_138], %swap3A_141 {strides = array<i32>} : memref<64x768xf32, #tpu.memory_space<vmem>>, vector<1x16xf32>,
        %get3A_142 = arith.index_cast %scan3A_87 : i32 to index
        %get3A_143 = arith.constant 80 : index
        %get3A_144 = tpu.vector_load %arg11[%get3A_142, %get3A_143] {strides = array<i32>} : memref<64x768xf32, #tpu.memory_space<vmem>>, vector<1x16xf32>,
        %get3A_145 = vector.shape_cast %get3A_144 : vector<1x16xf32> to vector<16xf32>
        %mul3A_146 = arith.mulf %get3A_145, %broadcast_in_dim3A : vector<16xf32>
        %swap3A_147 = arith.index_cast %scan3A_87 : i32 to index
        %swap3A_148 = arith.constant 80 : index
        %swap3A_149 = tpu.vector_load %arg11[%swap3A_147, %swap3A_148] {strides = array<i32>} : memref<64x768xf32, #tpu.memory_space<vmem>>, vector<1x16xf32>,
        %swap3A_150 = vector.shape_cast %swap3A_149 : vector<1x16xf32> to vector<16xf32>
        %swap3A_151 = vector.shape_cast %mul3A_146 : vector<16xf32> to vector<1x16xf32>
        tpu.vector_store %arg11[%swap3A_147, %swap3A_148], %swap3A_151 {strides = array<i32>} : memref<64x768xf32, #tpu.memory_space<vmem>>, vector<1x16xf32>,
        %get3A_152 = arith.index_cast %scan3A_87 : i32 to index
        %get3A_153 = arith.constant 96 : index
        %get3A_154 = tpu.vector_load %arg11[%get3A_152, %get3A_153] {strides = array<i32>} : memref<64x768xf32, #tpu.memory_space<vmem>>, vector<1x16xf32>,
        %get3A_155 = vector.shape_cast %get3A_154 : vector<1x16xf32> to vector<16xf32>
        %mul3A_156 = arith.mulf %get3A_155, %broadcast_in_dim3A : vector<16xf32>
        %swap3A_157 = arith.index_cast %scan3A_87 : i32 to index
        %swap3A_158 = arith.constant 96 : index
        %swap3A_159 = tpu.vector_load %arg11[%swap3A_157, %swap3A_158] {strides = array<i32>} : memref<64x768xf32, #tpu.memory_space<vmem>>, vector<1x16xf32>,
        %swap3A_160 = vector.shape_cast %swap3A_159 : vector<1x16xf32> to vector<16xf32>
        %swap3A_161 = vector.shape_cast %mul3A_156 : vector<16xf32> to vector<1x16xf32>
        tpu.vector_store %arg11[%swap3A_157, %swap3A_158], %swap3A_161 {strides = array<i32>} : memref<64x768xf32, #tpu.memory_space<vmem>>, vector<1x16xf32>,
        %get3A_162 = arith.index_cast %scan3A_87 : i32 to index
        %get3A_163 = arith.constant 112 : index
        %get3A_164 = tpu.vector_load %arg11[%get3A_162, %get3A_163] {strides = array<i32>} : memref<64x768xf32, #tpu.memory_space<vmem>>, vector<1x16xf32>,
        %get3A_165 = vector.shape_cast %get3A_164 : vector<1x16xf32> to vector<16xf32>
        %mul3A_166 = arith.mulf %get3A_165, %broadcast_in_dim3A : vector<16xf32>
        %swap3A_167 = arith.index_cast %scan3A_87 : i32 to index
        %swap3A_168 = arith.constant 112 : index
        %swap3A_169 = tpu.vector_load %arg11[%swap3A_167, %swap3A_168] {strides = array<i32>} : memref<64x768xf32, #tpu.memory_space<vmem>>, vector<1x16xf32>,
        %swap3A_170 = vector.shape_cast %swap3A_169 : vector<1x16xf32> to vector<16xf32>
        %swap3A_171 = vector.shape_cast %mul3A_166 : vector<16xf32> to vector<1x16xf32>
        tpu.vector_store %arg11[%swap3A_167, %swap3A_168], %swap3A_171 {strides = array<i32>} : memref<64x768xf32, #tpu.memory_space<vmem>>, vector<1x16xf32>,
        %get3A_172 = arith.index_cast %scan3A_87 : i32 to index
        %get3A_173 = arith.constant 128 : index
        %get3A_174 = tpu.vector_load %arg11[%get3A_172, %get3A_173] {strides = array<i32>} : memref<64x768xf32, #tpu.memory_space<vmem>>, vector<1x16xf32>,
        %get3A_175 = vector.shape_cast %get3A_174 : vector<1x16xf32> to vector<16xf32>
        %mul3A_176 = arith.mulf %get3A_175, %broadcast_in_dim3A : vector<16xf32>
        %swap3A_177 = arith.index_cast %scan3A_87 : i32 to index
        %swap3A_178 = arith.constant 128 : index
        %swap3A_179 = tpu.vector_load %arg11[%swap3A_177, %swap3A_178] {strides = array<i32>} : memref<64x768xf32, #tpu.memory_space<vmem>>, vector<1x16xf32>,
        %swap3A_180 = vector.shape_cast %swap3A_179 : vector<1x16xf32> to vector<16xf32>
        %swap3A_181 = vector.shape_cast %mul3A_176 : vector<16xf32> to vector<1x16xf32>
        tpu.vector_store %arg11[%swap3A_177, %swap3A_178], %swap3A_181 {strides = array<i32>} : memref<64x768xf32, #tpu.memory_space<vmem>>, vector<1x16xf32>,
        %get3A_182 = arith.index_cast %scan3A_87 : i32 to index
        %get3A_183 = arith.constant 144 : index
        %get3A_184 = tpu.vector_load %arg11[%get3A_182, %get3A_183] {strides = array<i32>} : memref<64x768xf32, #tpu.memory_space<vmem>>, vector<1x16xf32>,
        %get3A_185 = vector.shape_cast %get3A_184 : vector<1x16xf32> to vector<16xf32>
        %mul3A_186 = arith.mulf %get3A_185, %broadcast_in_dim3A : vector<16xf32>
        %swap3A_187 = arith.index_cast %scan3A_87 : i32 to index
        %swap3A_188 = arith.constant 144 : index
        %swap3A_189 = tpu.vector_load %arg11[%swap3A_187, %swap3A_188] {strides = array<i32>} : memref<64x768xf32, #tpu.memory_space<vmem>>, vector<1x16xf32>,
        %swap3A_190 = vector.shape_cast %swap3A_189 : vector<1x16xf32> to vector<16xf32>
        %swap3A_191 = vector.shape_cast %mul3A_186 : vector<16xf32> to vector<1x16xf32>
        tpu.vector_store %arg11[%swap3A_187, %swap3A_188], %swap3A_191 {strides = array<i32>} : memref<64x768xf32, #tpu.memory_space<vmem>>, vector<1x16xf32>,
        %get3A_192 = arith.index_cast %scan3A_87 : i32 to index
        %get3A_193 = arith.constant 160 : index
        %get3A_194 = tpu.vector_load %arg11[%get3A_192, %get3A_193] {strides = array<i32>} : memref<64x768xf32, #tpu.memory_space<vmem>>, vector<1x16xf32>,
        %get3A_195 = vector.shape_cast %get3A_194 : vector<1x16xf32> to vector<16xf32>
        %mul3A_196 = arith.mulf %get3A_195, %broadcast_in_dim3A : vector<16xf32>
        %swap3A_197 = arith.index_cast %scan3A_87 : i32 to index
        %swap3A_198 = arith.constant 160 : index
        %swap3A_199 = tpu.vector_load %arg11[%swap3A_197, %swap3A_198] {strides = array<i32>} : memref<64x768xf32, #tpu.memory_space<vmem>>, vector<1x16xf32>,
        %swap3A_200 = vector.shape_cast %swap3A_199 : vector<1x16xf32> to vector<16xf32>
        %swap3A_201 = vector.shape_cast %mul3A_196 : vector<16xf32> to vector<1x16xf32>
        tpu.vector_store %arg11[%swap3A_197, %swap3A_198], %swap3A_201 {strides = array<i32>} : memref<64x768xf32, #tpu.memory_space<vmem>>, vector<1x16xf32>,
        %get3A_202 = arith.index_cast %scan3A_87 : i32 to index
        %get3A_203 = arith.constant 176 : index
        %get3A_204 = tpu.vector_load %arg11[%get3A_202, %get3A_203] {strides = array<i32>} : memref<64x768xf32, #tpu.memory_space<vmem>>, vector<1x16xf32>,
        %get3A_205 = vector.shape_cast %get3A_204 : vector<1x16xf32> to vector<16xf32>
        %mul3A_206 = arith.mulf %get3A_205, %broadcast_in_dim3A : vector<16xf32>
        %swap3A_207 = arith.index_cast %scan3A_87 : i32 to index
        %swap3A_208 = arith.constant 176 : index
        %swap3A_209 = tpu.vector_load %arg11[%swap3A_207, %swap3A_208] {strides = array<i32>} : memref<64x768xf32, #tpu.memory_space<vmem>>, vector<1x16xf32>,
        %swap3A_210 = vector.shape_cast %swap3A_209 : vector<1x16xf32> to vector<16xf32>
        %swap3A_211 = vector.shape_cast %mul3A_206 : vector<16xf32> to vector<1x16xf32>
        tpu.vector_store %arg11[%swap3A_207, %swap3A_208], %swap3A_211 {strides = array<i32>} : memref<64x768xf32, #tpu.memory_space<vmem>>, vector<1x16xf32>,
        %get3A_212 = arith.index_cast %scan3A_87 : i32 to index
        %get3A_213 = arith.constant 192 : index
        %get3A_214 = tpu.vector_load %arg11[%get3A_212, %get3A_213] {strides = array<i32>} : memref<64x768xf32, #tpu.memory_space<vmem>>, vector<1x16xf32>,
        %get3A_215 = vector.shape_cast %get3A_214 : vector<1x16xf32> to vector<16xf32>
        %mul3A_216 = arith.mulf %get3A_215, %broadcast_in_dim3A : vector<16xf32>
        %swap3A_217 = arith.index_cast %scan3A_87 : i32 to index
        %swap3A_218 = arith.constant 192 : index
        %swap3A_219 = tpu.vector_load %arg11[%swap3A_217, %swap3A_218] {strides = array<i32>} : memref<64x768xf32, #tpu.memory_space<vmem>>, vector<1x16xf32>,
        %swap3A_220 = vector.shape_cast %swap3A_219 : vector<1x16xf32> to vector<16xf32>
        %swap3A_221 = vector.shape_cast %mul3A_216 : vector<16xf32> to vector<1x16xf32>
        tpu.vector_store %arg11[%swap3A_217, %swap3A_218], %swap3A_221 {strides = array<i32>} : memref<64x768xf32, #tpu.memory_space<vmem>>, vector<1x16xf32>,
        %get3A_222 = arith.index_cast %scan3A_87 : i32 to index
        %get3A_223 = arith.constant 208 : index
        %get3A_224 = tpu.vector_load %arg11[%get3A_222, %get3A_223] {strides = array<i32>} : memref<64x768xf32, #tpu.memory_space<vmem>>, vector<1x16xf32>,
        %get3A_225 = vector.shape_cast %get3A_224 : vector<1x16xf32> to vector<16xf32>
        %mul3A_226 = arith.mulf %get3A_225, %broadcast_in_dim3A : vector<16xf32>
        %swap3A_227 = arith.index_cast %scan3A_87 : i32 to index
        %swap3A_228 = arith.constant 208 : index
        %swap3A_229 = tpu.vector_load %arg11[%swap3A_227, %swap3A_228] {strides = array<i32>} : memref<64x768xf32, #tpu.memory_space<vmem>>, vector<1x16xf32>,
        %swap3A_230 = vector.shape_cast %swap3A_229 : vector<1x16xf32> to vector<16xf32>
        %swap3A_231 = vector.shape_cast %mul3A_226 : vector<16xf32> to vector<1x16xf32>
        tpu.vector_store %arg11[%swap3A_227, %swap3A_228], %swap3A_231 {strides = array<i32>} : memref<64x768xf32, #tpu.memory_space<vmem>>, vector<1x16xf32>,
        %get3A_232 = arith.index_cast %scan3A_87 : i32 to index
        %get3A_233 = arith.constant 224 : index
        %get3A_234 = tpu.vector_load %arg11[%get3A_232, %get3A_233] {strides = array<i32>} : memref<64x768xf32, #tpu.memory_space<vmem>>, vector<1x16xf32>,
        %get3A_235 = vector.shape_cast %get3A_234 : vector<1x16xf32> to vector<16xf32>
        %mul3A_236 = arith.mulf %get3A_235, %broadcast_in_dim3A : vector<16xf32>
        %swap3A_237 = arith.index_cast %scan3A_87 : i32 to index
        %swap3A_238 = arith.constant 224 : index
        %swap3A_239 = tpu.vector_load %arg11[%swap3A_237, %swap3A_238] {strides = array<i32>} : memref<64x768xf32, #tpu.memory_space<vmem>>, vector<1x16xf32>,
        %swap3A_240 = vector.shape_cast %swap3A_239 : vector<1x16xf32> to vector<16xf32>
        %swap3A_241 = vector.shape_cast %mul3A_236 : vector<16xf32> to vector<1x16xf32>
        tpu.vector_store %arg11[%swap3A_237, %swap3A_238], %swap3A_241 {strides = array<i32>} : memref<64x768xf32, #tpu.memory_space<vmem>>, vector<1x16xf32>,
        %get3A_242 = arith.index_cast %scan3A_87 : i32 to index
        %get3A_243 = arith.constant 240 : index
        %get3A_244 = tpu.vector_load %arg11[%get3A_242, %get3A_243] {strides = array<i32>} : memref<64x768xf32, #tpu.memory_space<vmem>>, vector<1x16xf32>,
        %get3A_245 = vector.shape_cast %get3A_244 : vector<1x16xf32> to vector<16xf32>
        %mul3A_246 = arith.mulf %get3A_245, %broadcast_in_dim3A : vector<16xf32>
        %swap3A_247 = arith.index_cast %scan3A_87 : i32 to index
        %swap3A_248 = arith.constant 240 : index
        %swap3A_249 = tpu.vector_load %arg11[%swap3A_247, %swap3A_248] {strides = array<i32>} : memref<64x768xf32, #tpu.memory_space<vmem>>, vector<1x16xf32>,
        %swap3A_250 = vector.shape_cast %swap3A_249 : vector<1x16xf32> to vector<16xf32>
        %swap3A_251 = vector.shape_cast %mul3A_246 : vector<16xf32> to vector<1x16xf32>
        tpu.vector_store %arg11[%swap3A_247, %swap3A_248], %swap3A_251 {strides = array<i32>} : memref<64x768xf32, #tpu.memory_space<vmem>>, vector<1x16xf32>,
        %get3A_252 = arith.index_cast %scan3A_87 : i32 to index
        %get3A_253 = arith.constant 256 : index
        %get3A_254 = tpu.vector_load %arg11[%get3A_252, %get3A_253] {strides = array<i32>} : memref<64x768xf32, #tpu.memory_space<vmem>>, vector<1x16xf32>,
        %get3A_255 = vector.shape_cast %get3A_254 : vector<1x16xf32> to vector<16xf32>
        %mul3A_256 = arith.mulf %get3A_255, %broadcast_in_dim3A : vector<16xf32>
        %swap3A_257 = arith.index_cast %scan3A_87 : i32 to index
        %swap3A_258 = arith.constant 256 : index
        %swap3A_259 = tpu.vector_load %arg11[%swap3A_257, %swap3A_258] {strides = array<i32>} : memref<64x768xf32, #tpu.memory_space<vmem>>, vector<1x16xf32>,
        %swap3A_260 = vector.shape_cast %swap3A_259 : vector<1x16xf32> to vector<16xf32>
        %swap3A_261 = vector.shape_cast %mul3A_256 : vector<16xf32> to vector<1x16xf32>
        tpu.vector_store %arg11[%swap3A_257, %swap3A_258], %swap3A_261 {strides = array<i32>} : memref<64x768xf32, #tpu.memory_space<vmem>>, vector<1x16xf32>,
        %get3A_262 = arith.index_cast %scan3A_87 : i32 to index
        %get3A_263 = arith.constant 272 : index
        %get3A_264 = tpu.vector_load %arg11[%get3A_262, %get3A_263] {strides = array<i32>} : memref<64x768xf32, #tpu.memory_space<vmem>>, vector<1x16xf32>,
        %get3A_265 = vector.shape_cast %get3A_264 : vector<1x16xf32> to vector<16xf32>
        %mul3A_266 = arith.mulf %get3A_265, %broadcast_in_dim3A : vector<16xf32>
        %swap3A_267 = arith.index_cast %scan3A_87 : i32 to index
        %swap3A_268 = arith.constant 272 : index
        %swap3A_269 = tpu.vector_load %arg11[%swap3A_267, %swap3A_268] {strides = array<i32>} : memref<64x768xf32, #tpu.memory_space<vmem>>, vector<1x16xf32>,
        %swap3A_270 = vector.shape_cast %swap3A_269 : vector<1x16xf32> to vector<16xf32>
        %swap3A_271 = vector.shape_cast %mul3A_266 : vector<16xf32> to vector<1x16xf32>
        tpu.vector_store %arg11[%swap3A_267, %swap3A_268], %swap3A_271 {strides = array<i32>} : memref<64x768xf32, #tpu.memory_space<vmem>>, vector<1x16xf32>,
        %get3A_272 = arith.index_cast %scan3A_87 : i32 to index
        %get3A_273 = arith.constant 288 : index
        %get3A_274 = tpu.vector_load %arg11[%get3A_272, %get3A_273] {strides = array<i32>} : memref<64x768xf32, #tpu.memory_space<vmem>>, vector<1x16xf32>,
        %get3A_275 = vector.shape_cast %get3A_274 : vector<1x16xf32> to vector<16xf32>
        %mul3A_276 = arith.mulf %get3A_275, %broadcast_in_dim3A : vector<16xf32>
        %swap3A_277 = arith.index_cast %scan3A_87 : i32 to index
        %swap3A_278 = arith.constant 288 : index
        %swap3A_279 = tpu.vector_load %arg11[%swap3A_277, %swap3A_278] {strides = array<i32>} : memref<64x768xf32, #tpu.memory_space<vmem>>, vector<1x16xf32>,
        %swap3A_280 = vector.shape_cast %swap3A_279 : vector<1x16xf32> to vector<16xf32>
        %swap3A_281 = vector.shape_cast %mul3A_276 : vector<16xf32> to vector<1x16xf32>
        tpu.vector_store %arg11[%swap3A_277, %swap3A_278], %swap3A_281 {strides = array<i32>} : memref<64x768xf32, #tpu.memory_space<vmem>>, vector<1x16xf32>,
        %get3A_282 = arith.index_cast %scan3A_87 : i32 to index
        %get3A_283 = arith.constant 304 : index
        %get3A_284 = tpu.vector_load %arg11[%get3A_282, %get3A_283] {strides = array<i32>} : memref<64x768xf32, #tpu.memory_space<vmem>>, vector<1x16xf32>,
        %get3A_285 = vector.shape_cast %get3A_284 : vector<1x16xf32> to vector<16xf32>
        %mul3A_286 = arith.mulf %get3A_285, %broadcast_in_dim3A : vector<16xf32>
        %swap3A_287 = arith.index_cast %scan3A_87 : i32 to index
        %swap3A_288 = arith.constant 304 : index
        %swap3A_289 = tpu.vector_load %arg11[%swap3A_287, %swap3A_288] {strides = array<i32>} : memref<64x768xf32, #tpu.memory_space<vmem>>, vector<1x16xf32>,
        %swap3A_290 = vector.shape_cast %swap3A_289 : vector<1x16xf32> to vector<16xf32>
        %swap3A_291 = vector.shape_cast %mul3A_286 : vector<16xf32> to vector<1x16xf32>
        tpu.vector_store %arg11[%swap3A_287, %swap3A_288], %swap3A_291 {strides = array<i32>} : memref<64x768xf32, #tpu.memory_space<vmem>>, vector<1x16xf32>,
        %get3A_292 = arith.index_cast %scan3A_87 : i32 to index
        %get3A_293 = arith.constant 320 : index
        %get3A_294 = tpu.vector_load %arg11[%get3A_292, %get3A_293] {strides = array<i32>} : memref<64x768xf32, #tpu.memory_space<vmem>>, vector<1x16xf32>,
        %get3A_295 = vector.shape_cast %get3A_294 : vector<1x16xf32> to vector<16xf32>
        %mul3A_296 = arith.mulf %get3A_295, %broadcast_in_dim3A : vector<16xf32>
        %swap3A_297 = arith.index_cast %scan3A_87 : i32 to index
        %swap3A_298 = arith.constant 320 : index
        %swap3A_299 = tpu.vector_load %arg11[%swap3A_297, %swap3A_298] {strides = array<i32>} : memref<64x768xf32, #tpu.memory_space<vmem>>, vector<1x16xf32>,
        %swap3A_300 = vector.shape_cast %swap3A_299 : vector<1x16xf32> to vector<16xf32>
        %swap3A_301 = vector.shape_cast %mul3A_296 : vector<16xf32> to vector<1x16xf32>
        tpu.vector_store %arg11[%swap3A_297, %swap3A_298], %swap3A_301 {strides = array<i32>} : memref<64x768xf32, #tpu.memory_space<vmem>>, vector<1x16xf32>,
        %get3A_302 = arith.index_cast %scan3A_87 : i32 to index
        %get3A_303 = arith.constant 336 : index
        %get3A_304 = tpu.vector_load %arg11[%get3A_302, %get3A_303] {strides = array<i32>} : memref<64x768xf32, #tpu.memory_space<vmem>>, vector<1x16xf32>,
        %get3A_305 = vector.shape_cast %get3A_304 : vector<1x16xf32> to vector<16xf32>
        %mul3A_306 = arith.mulf %get3A_305, %broadcast_in_dim3A : vector<16xf32>
        %swap3A_307 = arith.index_cast %scan3A_87 : i32 to index
        %swap3A_308 = arith.constant 336 : index
        %swap3A_309 = tpu.vector_load %arg11[%swap3A_307, %swap3A_308] {strides = array<i32>} : memref<64x768xf32, #tpu.memory_space<vmem>>, vector<1x16xf32>,
        %swap3A_310 = vector.shape_cast %swap3A_309 : vector<1x16xf32> to vector<16xf32>
        %swap3A_311 = vector.shape_cast %mul3A_306 : vector<16xf32> to vector<1x16xf32>
        tpu.vector_store %arg11[%swap3A_307, %swap3A_308], %swap3A_311 {strides = array<i32>} : memref<64x768xf32, #tpu.memory_space<vmem>>, vector<1x16xf32>,
        %get3A_312 = arith.index_cast %scan3A_87 : i32 to index
        %get3A_313 = arith.constant 352 : index
        %get3A_314 = tpu.vector_load %arg11[%get3A_312, %get3A_313] {strides = array<i32>} : memref<64x768xf32, #tpu.memory_space<vmem>>, vector<1x16xf32>,
        %get3A_315 = vector.shape_cast %get3A_314 : vector<1x16xf32> to vector<16xf32>
        %mul3A_316 = arith.mulf %get3A_315, %broadcast_in_dim3A : vector<16xf32>
        %swap3A_317 = arith.index_cast %scan3A_87 : i32 to index
        %swap3A_318 = arith.constant 352 : index
        %swap3A_319 = tpu.vector_load %arg11[%swap3A_317, %swap3A_318] {strides = array<i32>} : memref<64x768xf32, #tpu.memory_space<vmem>>, vector<1x16xf32>,
        %swap3A_320 = vector.shape_cast %swap3A_319 : vector<1x16xf32> to vector<16xf32>
        %swap3A_321 = vector.shape_cast %mul3A_316 : vector<16xf32> to vector<1x16xf32>
        tpu.vector_store %arg11[%swap3A_317, %swap3A_318], %swap3A_321 {strides = array<i32>} : memref<64x768xf32, #tpu.memory_space<vmem>>, vector<1x16xf32>,
        %get3A_322 = arith.index_cast %scan3A_87 : i32 to index
        %get3A_323 = arith.constant 368 : index
        %get3A_324 = tpu.vector_load %arg11[%get3A_322, %get3A_323] {strides = array<i32>} : memref<64x768xf32, #tpu.memory_space<vmem>>, vector<1x16xf32>,
        %get3A_325 = vector.shape_cast %get3A_324 : vector<1x16xf32> to vector<16xf32>
        %mul3A_326 = arith.mulf %get3A_325, %broadcast_in_dim3A : vector<16xf32>
        %swap3A_327 = arith.index_cast %scan3A_87 : i32 to index
        %swap3A_328 = arith.constant 368 : index
        %swap3A_329 = tpu.vector_load %arg11[%swap3A_327, %swap3A_328] {strides = array<i32>} : memref<64x768xf32, #tpu.memory_space<vmem>>, vector<1x16xf32>,
        %swap3A_330 = vector.shape_cast %swap3A_329 : vector<1x16xf32> to vector<16xf32>
        %swap3A_331 = vector.shape_cast %mul3A_326 : vector<16xf32> to vector<1x16xf32>
        tpu.vector_store %arg11[%swap3A_327, %swap3A_328], %swap3A_331 {strides = array<i32>} : memref<64x768xf32, #tpu.memory_space<vmem>>, vector<1x16xf32>,
        %get3A_332 = arith.index_cast %scan3A_87 : i32 to index
        %get3A_333 = arith.constant 384 : index
        %get3A_334 = tpu.vector_load %arg11[%get3A_332, %get3A_333] {strides = array<i32>} : memref<64x768xf32, #tpu.memory_space<vmem>>, vector<1x16xf32>,
        %get3A_335 = vector.shape_cast %get3A_334 : vector<1x16xf32> to vector<16xf32>
        %mul3A_336 = arith.mulf %get3A_335, %broadcast_in_dim3A : vector<16xf32>
        %swap3A_337 = arith.index_cast %scan3A_87 : i32 to index
        %swap3A_338 = arith.constant 384 : index
        %swap3A_339 = tpu.vector_load %arg11[%swap3A_337, %swap3A_338] {strides = array<i32>} : memref<64x768xf32, #tpu.memory_space<vmem>>, vector<1x16xf32>,
        %swap3A_340 = vector.shape_cast %swap3A_339 : vector<1x16xf32> to vector<16xf32>
        %swap3A_341 = vector.shape_cast %mul3A_336 : vector<16xf32> to vector<1x16xf32>
        tpu.vector_store %arg11[%swap3A_337, %swap3A_338], %swap3A_341 {strides = array<i32>} : memref<64x768xf32, #tpu.memory_space<vmem>>, vector<1x16xf32>,
        %get3A_342 = arith.index_cast %scan3A_87 : i32 to index
        %get3A_343 = arith.constant 400 : index
        %get3A_344 = tpu.vector_load %arg11[%get3A_342, %get3A_343] {strides = array<i32>} : memref<64x768xf32, #tpu.memory_space<vmem>>, vector<1x16xf32>,
        %get3A_345 = vector.shape_cast %get3A_344 : vector<1x16xf32> to vector<16xf32>
        %mul3A_346 = arith.mulf %get3A_345, %broadcast_in_dim3A : vector<16xf32>
        %swap3A_347 = arith.index_cast %scan3A_87 : i32 to index
        %swap3A_348 = arith.constant 400 : index
        %swap3A_349 = tpu.vector_load %arg11[%swap3A_347, %swap3A_348] {strides = array<i32>} : memref<64x768xf32, #tpu.memory_space<vmem>>, vector<1x16xf32>,
        %swap3A_350 = vector.shape_cast %swap3A_349 : vector<1x16xf32> to vector<16xf32>
        %swap3A_351 = vector.shape_cast %mul3A_346 : vector<16xf32> to vector<1x16xf32>
        tpu.vector_store %arg11[%swap3A_347, %swap3A_348], %swap3A_351 {strides = array<i32>} : memref<64x768xf32, #tpu.memory_space<vmem>>, vector<1x16xf32>,
        %get3A_352 = arith.index_cast %scan3A_87 : i32 to index
        %get3A_353 = arith.constant 416 : index
        %get3A_354 = tpu.vector_load %arg11[%get3A_352, %get3A_353] {strides = array<i32>} : memref<64x768xf32, #tpu.memory_space<vmem>>, vector<1x16xf32>,
        %get3A_355 = vector.shape_cast %get3A_354 : vector<1x16xf32> to vector<16xf32>
        %mul3A_356 = arith.mulf %get3A_355, %broadcast_in_dim3A : vector<16xf32>
        %swap3A_357 = arith.index_cast %scan3A_87 : i32 to index
        %swap3A_358 = arith.constant 416 : index
        %swap3A_359 = tpu.vector_load %arg11[%swap3A_357, %swap3A_358] {strides = array<i32>} : memref<64x768xf32, #tpu.memory_space<vmem>>, vector<1x16xf32>,
        %swap3A_360 = vector.shape_cast %swap3A_359 : vector<1x16xf32> to vector<16xf32>
        %swap3A_361 = vector.shape_cast %mul3A_356 : vector<16xf32> to vector<1x16xf32>
        tpu.vector_store %arg11[%swap3A_357, %swap3A_358], %swap3A_361 {strides = array<i32>} : memref<64x768xf32, #tpu.memory_space<vmem>>, vector<1x16xf32>,
        %get3A_362 = arith.index_cast %scan3A_87 : i32 to index
        %get3A_363 = arith.constant 432 : index
        %get3A_364 = tpu.vector_load %arg11[%get3A_362, %get3A_363] {strides = array<i32>} : memref<64x768xf32, #tpu.memory_space<vmem>>, vector<1x16xf32>,
        %get3A_365 = vector.shape_cast %get3A_364 : vector<1x16xf32> to vector<16xf32>
        %mul3A_366 = arith.mulf %get3A_365, %broadcast_in_dim3A : vector<16xf32>
        %swap3A_367 = arith.index_cast %scan3A_87 : i32 to index
        %swap3A_368 = arith.constant 432 : index
        %swap3A_369 = tpu.vector_load %arg11[%swap3A_367, %swap3A_368] {strides = array<i32>} : memref<64x768xf32, #tpu.memory_space<vmem>>, vector<1x16xf32>,
        %swap3A_370 = vector.shape_cast %swap3A_369 : vector<1x16xf32> to vector<16xf32>
        %swap3A_371 = vector.shape_cast %mul3A_366 : vector<16xf32> to vector<1x16xf32>
        tpu.vector_store %arg11[%swap3A_367, %swap3A_368], %swap3A_371 {strides = array<i32>} : memref<64x768xf32, #tpu.memory_space<vmem>>, vector<1x16xf32>,
        %get3A_372 = arith.index_cast %scan3A_87 : i32 to index
        %get3A_373 = arith.constant 448 : index
        %get3A_374 = tpu.vector_load %arg11[%get3A_372, %get3A_373] {strides = array<i32>} : memref<64x768xf32, #tpu.memory_space<vmem>>, vector<1x16xf32>,
        %get3A_375 = vector.shape_cast %get3A_374 : vector<1x16xf32> to vector<16xf32>
        %mul3A_376 = arith.mulf %get3A_375, %broadcast_in_dim3A : vector<16xf32>
        %swap3A_377 = arith.index_cast %scan3A_87 : i32 to index
        %swap3A_378 = arith.constant 448 : index
        %swap3A_379 = tpu.vector_load %arg11[%swap3A_377, %swap3A_378] {strides = array<i32>} : memref<64x768xf32, #tpu.memory_space<vmem>>, vector<1x16xf32>,
        %swap3A_380 = vector.shape_cast %swap3A_379 : vector<1x16xf32> to vector<16xf32>
        %swap3A_381 = vector.shape_cast %mul3A_376 : vector<16xf32> to vector<1x16xf32>
        tpu.vector_store %arg11[%swap3A_377, %swap3A_378], %swap3A_381 {strides = array<i32>} : memref<64x768xf32, #tpu.memory_space<vmem>>, vector<1x16xf32>,
        %get3A_382 = arith.index_cast %scan3A_87 : i32 to index
        %get3A_383 = arith.constant 464 : index
        %get3A_384 = tpu.vector_load %arg11[%get3A_382, %get3A_383] {strides = array<i32>} : memref<64x768xf32, #tpu.memory_space<vmem>>, vector<1x16xf32>,
        %get3A_385 = vector.shape_cast %get3A_384 : vector<1x16xf32> to vector<16xf32>
        %mul3A_386 = arith.mulf %get3A_385, %broadcast_in_dim3A : vector<16xf32>
        %swap3A_387 = arith.index_cast %scan3A_87 : i32 to index
        %swap3A_388 = arith.constant 464 : index
        %swap3A_389 = tpu.vector_load %arg11[%swap3A_387, %swap3A_388] {strides = array<i32>} : memref<64x768xf32, #tpu.memory_space<vmem>>, vector<1x16xf32>,
        %swap3A_390 = vector.shape_cast %swap3A_389 : vector<1x16xf32> to vector<16xf32>
        %swap3A_391 = vector.shape_cast %mul3A_386 : vector<16xf32> to vector<1x16xf32>
        tpu.vector_store %arg11[%swap3A_387, %swap3A_388], %swap3A_391 {strides = array<i32>} : memref<64x768xf32, #tpu.memory_space<vmem>>, vector<1x16xf32>,
        %get3A_392 = arith.index_cast %scan3A_87 : i32 to index
        %get3A_393 = arith.constant 480 : index
        %get3A_394 = tpu.vector_load %arg11[%get3A_392, %get3A_393] {strides = array<i32>} : memref<64x768xf32, #tpu.memory_space<vmem>>, vector<1x16xf32>,
        %get3A_395 = vector.shape_cast %get3A_394 : vector<1x16xf32> to vector<16xf32>
        %mul3A_396 = arith.mulf %get3A_395, %broadcast_in_dim3A : vector<16xf32>
        %swap3A_397 = arith.index_cast %scan3A_87 : i32 to index
        %swap3A_398 = arith.constant 480 : index
        %swap3A_399 = tpu.vector_load %arg11[%swap3A_397, %swap3A_398] {strides = array<i32>} : memref<64x768xf32, #tpu.memory_space<vmem>>, vector<1x16xf32>,
        %swap3A_400 = vector.shape_cast %swap3A_399 : vector<1x16xf32> to vector<16xf32>
        %swap3A_401 = vector.shape_cast %mul3A_396 : vector<16xf32> to vector<1x16xf32>
        tpu.vector_store %arg11[%swap3A_397, %swap3A_398], %swap3A_401 {strides = array<i32>} : memref<64x768xf32, #tpu.memory_space<vmem>>, vector<1x16xf32>,
        %get3A_402 = arith.index_cast %scan3A_87 : i32 to index
        %get3A_403 = arith.constant 496 : index
        %get3A_404 = tpu.vector_load %arg11[%get3A_402, %get3A_403] {strides = array<i32>} : memref<64x768xf32, #tpu.memory_space<vmem>>, vector<1x16xf32>,
        %get3A_405 = vector.shape_cast %get3A_404 : vector<1x16xf32> to vector<16xf32>
        %mul3A_406 = arith.mulf %get3A_405, %broadcast_in_dim3A : vector<16xf32>
        %swap3A_407 = arith.index_cast %scan3A_87 : i32 to index
        %swap3A_408 = arith.constant 496 : index
        %swap3A_409 = tpu.vector_load %arg11[%swap3A_407, %swap3A_408] {strides = array<i32>} : memref<64x768xf32, #tpu.memory_space<vmem>>, vector<1x16xf32>,
        %swap3A_410 = vector.shape_cast %swap3A_409 : vector<1x16xf32> to vector<16xf32>
        %swap3A_411 = vector.shape_cast %mul3A_406 : vector<16xf32> to vector<1x16xf32>
        tpu.vector_store %arg11[%swap3A_407, %swap3A_408], %swap3A_411 {strides = array<i32>} : memref<64x768xf32, #tpu.memory_space<vmem>>, vector<1x16xf32>,
        %get3A_412 = arith.index_cast %scan3A_87 : i32 to index
        %get3A_413 = arith.constant 512 : index
        %get3A_414 = tpu.vector_load %arg11[%get3A_412, %get3A_413] {strides = array<i32>} : memref<64x768xf32, #tpu.memory_space<vmem>>, vector<1x16xf32>,
        %get3A_415 = vector.shape_cast %get3A_414 : vector<1x16xf32> to vector<16xf32>
        %mul3A_416 = arith.mulf %get3A_415, %broadcast_in_dim3A : vector<16xf32>
        %swap3A_417 = arith.index_cast %scan3A_87 : i32 to index
        %swap3A_418 = arith.constant 512 : index
        %swap3A_419 = tpu.vector_load %arg11[%swap3A_417, %swap3A_418] {strides = array<i32>} : memref<64x768xf32, #tpu.memory_space<vmem>>, vector<1x16xf32>,
        %swap3A_420 = vector.shape_cast %swap3A_419 : vector<1x16xf32> to vector<16xf32>
        %swap3A_421 = vector.shape_cast %mul3A_416 : vector<16xf32> to vector<1x16xf32>
        tpu.vector_store %arg11[%swap3A_417, %swap3A_418], %swap3A_421 {strides = array<i32>} : memref<64x768xf32, #tpu.memory_space<vmem>>, vector<1x16xf32>,
        %get3A_422 = arith.index_cast %scan3A_87 : i32 to index
        %get3A_423 = arith.constant 528 : index
        %get3A_424 = tpu.vector_load %arg11[%get3A_422, %get3A_423] {strides = array<i32>} : memref<64x768xf32, #tpu.memory_space<vmem>>, vector<1x16xf32>,
        %get3A_425 = vector.shape_cast %get3A_424 : vector<1x16xf32> to vector<16xf32>
        %mul3A_426 = arith.mulf %get3A_425, %broadcast_in_dim3A : vector<16xf32>
        %swap3A_427 = arith.index_cast %scan3A_87 : i32 to index
        %swap3A_428 = arith.constant 528 : index
        %swap3A_429 = tpu.vector_load %arg11[%swap3A_427, %swap3A_428] {strides = array<i32>} : memref<64x768xf32, #tpu.memory_space<vmem>>, vector<1x16xf32>,
        %swap3A_430 = vector.shape_cast %swap3A_429 : vector<1x16xf32> to vector<16xf32>
        %swap3A_431 = vector.shape_cast %mul3A_426 : vector<16xf32> to vector<1x16xf32>
        tpu.vector_store %arg11[%swap3A_427, %swap3A_428], %swap3A_431 {strides = array<i32>} : memref<64x768xf32, #tpu.memory_space<vmem>>, vector<1x16xf32>,
        %get3A_432 = arith.index_cast %scan3A_87 : i32 to index
        %get3A_433 = arith.constant 544 : index
        %get3A_434 = tpu.vector_load %arg11[%get3A_432, %get3A_433] {strides = array<i32>} : memref<64x768xf32, #tpu.memory_space<vmem>>, vector<1x16xf32>,
        %get3A_435 = vector.shape_cast %get3A_434 : vector<1x16xf32> to vector<16xf32>
        %mul3A_436 = arith.mulf %get3A_435, %broadcast_in_dim3A : vector<16xf32>
        %swap3A_437 = arith.index_cast %scan3A_87 : i32 to index
        %swap3A_438 = arith.constant 544 : index
        %swap3A_439 = tpu.vector_load %arg11[%swap3A_437, %swap3A_438] {strides = array<i32>} : memref<64x768xf32, #tpu.memory_space<vmem>>, vector<1x16xf32>,
        %swap3A_440 = vector.shape_cast %swap3A_439 : vector<1x16xf32> to vector<16xf32>
        %swap3A_441 = vector.shape_cast %mul3A_436 : vector<16xf32> to vector<1x16xf32>
        tpu.vector_store %arg11[%swap3A_437, %swap3A_438], %swap3A_441 {strides = array<i32>} : memref<64x768xf32, #tpu.memory_space<vmem>>, vector<1x16xf32>,
        %get3A_442 = arith.index_cast %scan3A_87 : i32 to index
        %get3A_443 = arith.constant 560 : index
        %get3A_444 = tpu.vector_load %arg11[%get3A_442, %get3A_443] {strides = array<i32>} : memref<64x768xf32, #tpu.memory_space<vmem>>, vector<1x16xf32>,
        %get3A_445 = vector.shape_cast %get3A_444 : vector<1x16xf32> to vector<16xf32>
        %mul3A_446 = arith.mulf %get3A_445, %broadcast_in_dim3A : vector<16xf32>
        %swap3A_447 = arith.index_cast %scan3A_87 : i32 to index
        %swap3A_448 = arith.constant 560 : index
        %swap3A_449 = tpu.vector_load %arg11[%swap3A_447, %swap3A_448] {strides = array<i32>} : memref<64x768xf32, #tpu.memory_space<vmem>>, vector<1x16xf32>,
        %swap3A_450 = vector.shape_cast %swap3A_449 : vector<1x16xf32> to vector<16xf32>
        %swap3A_451 = vector.shape_cast %mul3A_446 : vector<16xf32> to vector<1x16xf32>
        tpu.vector_store %arg11[%swap3A_447, %swap3A_448], %swap3A_451 {strides = array<i32>} : memref<64x768xf32, #tpu.memory_space<vmem>>, vector<1x16xf32>,
        %get3A_452 = arith.index_cast %scan3A_87 : i32 to index
        %get3A_453 = arith.constant 576 : index
        %get3A_454 = tpu.vector_load %arg11[%get3A_452, %get3A_453] {strides = array<i32>} : memref<64x768xf32, #tpu.memory_space<vmem>>, vector<1x16xf32>,
        %get3A_455 = vector.shape_cast %get3A_454 : vector<1x16xf32> to vector<16xf32>
        %mul3A_456 = arith.mulf %get3A_455, %broadcast_in_dim3A : vector<16xf32>
        %swap3A_457 = arith.index_cast %scan3A_87 : i32 to index
        %swap3A_458 = arith.constant 576 : index
        %swap3A_459 = tpu.vector_load %arg11[%swap3A_457, %swap3A_458] {strides = array<i32>} : memref<64x768xf32, #tpu.memory_space<vmem>>, vector<1x16xf32>,
        %swap3A_460 = vector.shape_cast %swap3A_459 : vector<1x16xf32> to vector<16xf32>
        %swap3A_461 = vector.shape_cast %mul3A_456 : vector<16xf32> to vector<1x16xf32>
        tpu.vector_store %arg11[%swap3A_457, %swap3A_458], %swap3A_461 {strides = array<i32>} : memref<64x768xf32, #tpu.memory_space<vmem>>, vector<1x16xf32>,
        %get3A_462 = arith.index_cast %scan3A_87 : i32 to index
        %get3A_463 = arith.constant 592 : index
        %get3A_464 = tpu.vector_load %arg11[%get3A_462, %get3A_463] {strides = array<i32>} : memref<64x768xf32, #tpu.memory_space<vmem>>, vector<1x16xf32>,
        %get3A_465 = vector.shape_cast %get3A_464 : vector<1x16xf32> to vector<16xf32>
        %mul3A_466 = arith.mulf %get3A_465, %broadcast_in_dim3A : vector<16xf32>
        %swap3A_467 = arith.index_cast %scan3A_87 : i32 to index
        %swap3A_468 = arith.constant 592 : index
        %swap3A_469 = tpu.vector_load %arg11[%swap3A_467, %swap3A_468] {strides = array<i32>} : memref<64x768xf32, #tpu.memory_space<vmem>>, vector<1x16xf32>,
        %swap3A_470 = vector.shape_cast %swap3A_469 : vector<1x16xf32> to vector<16xf32>
        %swap3A_471 = vector.shape_cast %mul3A_466 : vector<16xf32> to vector<1x16xf32>
        tpu.vector_store %arg11[%swap3A_467, %swap3A_468], %swap3A_471 {strides = array<i32>} : memref<64x768xf32, #tpu.memory_space<vmem>>, vector<1x16xf32>,
        %get3A_472 = arith.index_cast %scan3A_87 : i32 to index
        %get3A_473 = arith.constant 608 : index
        %get3A_474 = tpu.vector_load %arg11[%get3A_472, %get3A_473] {strides = array<i32>} : memref<64x768xf32, #tpu.memory_space<vmem>>, vector<1x16xf32>,
        %get3A_475 = vector.shape_cast %get3A_474 : vector<1x16xf32> to vector<16xf32>
        %mul3A_476 = arith.mulf %get3A_475, %broadcast_in_dim3A : vector<16xf32>
        %swap3A_477 = arith.index_cast %scan3A_87 : i32 to index
        %swap3A_478 = arith.constant 608 : index
        %swap3A_479 = tpu.vector_load %arg11[%swap3A_477, %swap3A_478] {strides = array<i32>} : memref<64x768xf32, #tpu.memory_space<vmem>>, vector<1x16xf32>,
        %swap3A_480 = vector.shape_cast %swap3A_479 : vector<1x16xf32> to vector<16xf32>
        %swap3A_481 = vector.shape_cast %mul3A_476 : vector<16xf32> to vector<1x16xf32>
        tpu.vector_store %arg11[%swap3A_477, %swap3A_478], %swap3A_481 {strides = array<i32>} : memref<64x768xf32, #tpu.memory_space<vmem>>, vector<1x16xf32>,
        %get3A_482 = arith.index_cast %scan3A_87 : i32 to index
        %get3A_483 = arith.constant 624 : index
        %get3A_484 = tpu.vector_load %arg11[%get3A_482, %get3A_483] {strides = array<i32>} : memref<64x768xf32, #tpu.memory_space<vmem>>, vector<1x16xf32>,
        %get3A_485 = vector.shape_cast %get3A_484 : vector<1x16xf32> to vector<16xf32>
        %mul3A_486 = arith.mulf %get3A_485, %broadcast_in_dim3A : vector<16xf32>
        %swap3A_487 = arith.index_cast %scan3A_87 : i32 to index
        %swap3A_488 = arith.constant 624 : index
        %swap3A_489 = tpu.vector_load %arg11[%swap3A_487, %swap3A_488] {strides = array<i32>} : memref<64x768xf32, #tpu.memory_space<vmem>>, vector<1x16xf32>,
        %swap3A_490 = vector.shape_cast %swap3A_489 : vector<1x16xf32> to vector<16xf32>
        %swap3A_491 = vector.shape_cast %mul3A_486 : vector<16xf32> to vector<1x16xf32>
        tpu.vector_store %arg11[%swap3A_487, %swap3A_488], %swap3A_491 {strides = array<i32>} : memref<64x768xf32, #tpu.memory_space<vmem>>, vector<1x16xf32>,
        %get3A_492 = arith.index_cast %scan3A_87 : i32 to index
        %get3A_493 = arith.constant 640 : index
        %get3A_494 = tpu.vector_load %arg11[%get3A_492, %get3A_493] {strides = array<i32>} : memref<64x768xf32, #tpu.memory_space<vmem>>, vector<1x16xf32>,
        %get3A_495 = vector.shape_cast %get3A_494 : vector<1x16xf32> to vector<16xf32>
        %mul3A_496 = arith.mulf %get3A_495, %broadcast_in_dim3A : vector<16xf32>
        %swap3A_497 = arith.index_cast %scan3A_87 : i32 to index
        %swap3A_498 = arith.constant 640 : index
        %swap3A_499 = tpu.vector_load %arg11[%swap3A_497, %swap3A_498] {strides = array<i32>} : memref<64x768xf32, #tpu.memory_space<vmem>>, vector<1x16xf32>,
        %swap3A_500 = vector.shape_cast %swap3A_499 : vector<1x16xf32> to vector<16xf32>
        %swap3A_501 = vector.shape_cast %mul3A_496 : vector<16xf32> to vector<1x16xf32>
        tpu.vector_store %arg11[%swap3A_497, %swap3A_498], %swap3A_501 {strides = array<i32>} : memref<64x768xf32, #tpu.memory_space<vmem>>, vector<1x16xf32>,
        %get3A_502 = arith.index_cast %scan3A_87 : i32 to index
        %get3A_503 = arith.constant 656 : index
        %get3A_504 = tpu.vector_load %arg11[%get3A_502, %get3A_503] {strides = array<i32>} : memref<64x768xf32, #tpu.memory_space<vmem>>, vector<1x16xf32>,
        %get3A_505 = vector.shape_cast %get3A_504 : vector<1x16xf32> to vector<16xf32>
        %mul3A_506 = arith.mulf %get3A_505, %broadcast_in_dim3A : vector<16xf32>
        %swap3A_507 = arith.index_cast %scan3A_87 : i32 to index
        %swap3A_508 = arith.constant 656 : index
        %swap3A_509 = tpu.vector_load %arg11[%swap3A_507, %swap3A_508] {strides = array<i32>} : memref<64x768xf32, #tpu.memory_space<vmem>>, vector<1x16xf32>,
        %swap3A_510 = vector.shape_cast %swap3A_509 : vector<1x16xf32> to vector<16xf32>
        %swap3A_511 = vector.shape_cast %mul3A_506 : vector<16xf32> to vector<1x16xf32>
        tpu.vector_store %arg11[%swap3A_507, %swap3A_508], %swap3A_511 {strides = array<i32>} : memref<64x768xf32, #tpu.memory_space<vmem>>, vector<1x16xf32>,
        %get3A_512 = arith.index_cast %scan3A_87 : i32 to index
        %get3A_513 = arith.constant 672 : index
        %get3A_514 = tpu.vector_load %arg11[%get3A_512, %get3A_513] {strides = array<i32>} : memref<64x768xf32, #tpu.memory_space<vmem>>, vector<1x16xf32>,
        %get3A_515 = vector.shape_cast %get3A_514 : vector<1x16xf32> to vector<16xf32>
        %mul3A_516 = arith.mulf %get3A_515, %broadcast_in_dim3A : vector<16xf32>
        %swap3A_517 = arith.index_cast %scan3A_87 : i32 to index
        %swap3A_518 = arith.constant 672 : index
        %swap3A_519 = tpu.vector_load %arg11[%swap3A_517, %swap3A_518] {strides = array<i32>} : memref<64x768xf32, #tpu.memory_space<vmem>>, vector<1x16xf32>,
        %swap3A_520 = vector.shape_cast %swap3A_519 : vector<1x16xf32> to vector<16xf32>
        %swap3A_521 = vector.shape_cast %mul3A_516 : vector<16xf32> to vector<1x16xf32>
        tpu.vector_store %arg11[%swap3A_517, %swap3A_518], %swap3A_521 {strides = array<i32>} : memref<64x768xf32, #tpu.memory_space<vmem>>, vector<1x16xf32>,
        %get3A_522 = arith.index_cast %scan3A_87 : i32 to index
        %get3A_523 = arith.constant 688 : index
        %get3A_524 = tpu.vector_load %arg11[%get3A_522, %get3A_523] {strides = array<i32>} : memref<64x768xf32, #tpu.memory_space<vmem>>, vector<1x16xf32>,
        %get3A_525 = vector.shape_cast %get3A_524 : vector<1x16xf32> to vector<16xf32>
        %mul3A_526 = arith.mulf %get3A_525, %broadcast_in_dim3A : vector<16xf32>
        %swap3A_527 = arith.index_cast %scan3A_87 : i32 to index
        %swap3A_528 = arith.constant 688 : index
        %swap3A_529 = tpu.vector_load %arg11[%swap3A_527, %swap3A_528] {strides = array<i32>} : memref<64x768xf32, #tpu.memory_space<vmem>>, vector<1x16xf32>,
        %swap3A_530 = vector.shape_cast %swap3A_529 : vector<1x16xf32> to vector<16xf32>
        %swap3A_531 = vector.shape_cast %mul3A_526 : vector<16xf32> to vector<1x16xf32>
        tpu.vector_store %arg11[%swap3A_527, %swap3A_528], %swap3A_531 {strides = array<i32>} : memref<64x768xf32, #tpu.memory_space<vmem>>, vector<1x16xf32>,
        %get3A_532 = arith.index_cast %scan3A_87 : i32 to index
        %get3A_533 = arith.constant 704 : index
        %get3A_534 = tpu.vector_load %arg11[%get3A_532, %get3A_533] {strides = array<i32>} : memref<64x768xf32, #tpu.memory_space<vmem>>, vector<1x16xf32>,
        %get3A_535 = vector.shape_cast %get3A_534 : vector<1x16xf32> to vector<16xf32>
        %mul3A_536 = arith.mulf %get3A_535, %broadcast_in_dim3A : vector<16xf32>
        %swap3A_537 = arith.index_cast %scan3A_87 : i32 to index
        %swap3A_538 = arith.constant 704 : index
        %swap3A_539 = tpu.vector_load %arg11[%swap3A_537, %swap3A_538] {strides = array<i32>} : memref<64x768xf32, #tpu.memory_space<vmem>>, vector<1x16xf32>,
        %swap3A_540 = vector.shape_cast %swap3A_539 : vector<1x16xf32> to vector<16xf32>
        %swap3A_541 = vector.shape_cast %mul3A_536 : vector<16xf32> to vector<1x16xf32>
        tpu.vector_store %arg11[%swap3A_537, %swap3A_538], %swap3A_541 {strides = array<i32>} : memref<64x768xf32, #tpu.memory_space<vmem>>, vector<1x16xf32>,
        %get3A_542 = arith.index_cast %scan3A_87 : i32 to index
        %get3A_543 = arith.constant 720 : index
        %get3A_544 = tpu.vector_load %arg11[%get3A_542, %get3A_543] {strides = array<i32>} : memref<64x768xf32, #tpu.memory_space<vmem>>, vector<1x16xf32>,
        %get3A_545 = vector.shape_cast %get3A_544 : vector<1x16xf32> to vector<16xf32>
        %mul3A_546 = arith.mulf %get3A_545, %broadcast_in_dim3A : vector<16xf32>
        %swap3A_547 = arith.index_cast %scan3A_87 : i32 to index
        %swap3A_548 = arith.constant 720 : index
        %swap3A_549 = tpu.vector_load %arg11[%swap3A_547, %swap3A_548] {strides = array<i32>} : memref<64x768xf32, #tpu.memory_space<vmem>>, vector<1x16xf32>,
        %swap3A_550 = vector.shape_cast %swap3A_549 : vector<1x16xf32> to vector<16xf32>
        %swap3A_551 = vector.shape_cast %mul3A_546 : vector<16xf32> to vector<1x16xf32>
        tpu.vector_store %arg11[%swap3A_547, %swap3A_548], %swap3A_551 {strides = array<i32>} : memref<64x768xf32, #tpu.memory_space<vmem>>, vector<1x16xf32>,
        %get3A_552 = arith.index_cast %scan3A_87 : i32 to index
        %get3A_553 = arith.constant 736 : index
        %get3A_554 = tpu.vector_load %arg11[%get3A_552, %get3A_553] {strides = array<i32>} : memref<64x768xf32, #tpu.memory_space<vmem>>, vector<1x16xf32>,
        %get3A_555 = vector.shape_cast %get3A_554 : vector<1x16xf32> to vector<16xf32>
        %mul3A_556 = arith.mulf %get3A_555, %broadcast_in_dim3A : vector<16xf32>
        %swap3A_557 = arith.index_cast %scan3A_87 : i32 to index
        %swap3A_558 = arith.constant 736 : index
        %swap3A_559 = tpu.vector_load %arg11[%swap3A_557, %swap3A_558] {strides = array<i32>} : memref<64x768xf32, #tpu.memory_space<vmem>>, vector<1x16xf32>,
        %swap3A_560 = vector.shape_cast %swap3A_559 : vector<1x16xf32> to vector<16xf32>
        %swap3A_561 = vector.shape_cast %mul3A_556 : vector<16xf32> to vector<1x16xf32>
        tpu.vector_store %arg11[%swap3A_557, %swap3A_558], %swap3A_561 {strides = array<i32>} : memref<64x768xf32, #tpu.memory_space<vmem>>, vector<1x16xf32>,
        %get3A_562 = arith.index_cast %scan3A_87 : i32 to index
        %get3A_563 = arith.constant 752 : index
        %get3A_564 = tpu.vector_load %arg11[%get3A_562, %get3A_563] {strides = array<i32>} : memref<64x768xf32, #tpu.memory_space<vmem>>, vector<1x16xf32>,
        %get3A_565 = vector.shape_cast %get3A_564 : vector<1x16xf32> to vector<16xf32>
        %mul3A_566 = arith.mulf %get3A_565, %broadcast_in_dim3A : vector<16xf32>
        %swap3A_567 = arith.index_cast %scan3A_87 : i32 to index
        %swap3A_568 = arith.constant 752 : index
        %swap3A_569 = tpu.vector_load %arg11[%swap3A_567, %swap3A_568] {strides = array<i32>} : memref<64x768xf32, #tpu.memory_space<vmem>>, vector<1x16xf32>,
        %swap3A_570 = vector.shape_cast %swap3A_569 : vector<1x16xf32> to vector<16xf32>
        %swap3A_571 = vector.shape_cast %mul3A_566 : vector<16xf32> to vector<1x16xf32>
        tpu.vector_store %arg11[%swap3A_567, %swap3A_568], %swap3A_571 {strides = array<i32>} : memref<64x768xf32, #tpu.memory_space<vmem>>, vector<1x16xf32>,
      }
      %scan3A_79 = arith.constant 64 : i32
      %mul3A_80 = arith.constant 64 : i32
      %mul3A_81 = arith.muli %add3A_60, %mul3A_80 : i32
      %add3A_82 = arith.addi %mul3A_2, %mul3A_81 : i32
      %dma_start3A_83 = arith.constant 0 : i32
      %dma_start3A_84 = tpu.memref_slice %arg6[%add3A_82, %dma_start3A_83] : memref<65536x768xf32, #tpu.memory_space<hbm>> -> memref<64x768xf32, #tpu.memory_space<hbm>>
      %dma_start3A_85 = arith.constant 0 : i32
      %dma_start3A_86 = tpu.memref_slice %arg6[%add3A_82, %dma_start3A_85] : memref<65536x768xf32, #tpu.memory_space<hbm>> -> memref<64x768xf32, #tpu.memory_space<hbm>>
      tpu.enqueue_dma source(%arg11 : memref<64x768xf32, #tpu.memory_space<vmem>>) target(%dma_start3A_86 : memref<64x768xf32, #tpu.memory_space<hbm>>) target_semaphore(%arg15 : memref<!tpu.dma_semaphore, #tpu.memory_space<semaphore_mem>>)
    }
    %scan3A_17 = arith.constant 16 : i32
    %add3A_18 = arith.constant 1920 : i32
    %add3A_19 = arith.addi %mul3A_2, %add3A_18 : i32
    %dma_wait3A = arith.constant 0 : i32
    %dma_wait3A_20 = tpu.memref_slice %arg6[%add3A_19, %dma_wait3A] : memref<65536x768xf32, #tpu.memory_space<hbm>> -> memref<64x768xf32, #tpu.memory_space<hbm>>
    %dma_wait3A_21 = arith.constant 0 : i32
    %dma_wait3A_22 = tpu.memref_slice %arg6[%add3A_19, %dma_wait3A_21] : memref<65536x768xf32, #tpu.memory_space<hbm>> -> memref<64x768xf32, #tpu.memory_space<hbm>>
    tpu.wait_dma2 semaphore(%arg14 : memref<!tpu.dma_semaphore, #tpu.memory_space<semaphore_mem>>) src(%arg10 : memref<64x768xf32, #tpu.memory_space<vmem>>) dst(%dma_wait3A_22 : memref<64x768xf32, #tpu.memory_space<hbm>>)
    %add3A_23 = arith.constant 1984 : i32
    %add3A_24 = arith.addi %mul3A_2, %add3A_23 : i32
    %dma_wait3A_25 = arith.constant 0 : i32
    %dma_wait3A_26 = tpu.memref_slice %arg6[%add3A_24, %dma_wait3A_25] : memref<65536x768xf32, #tpu.memory_space<hbm>> -> memref<64x768xf32, #tpu.memory_space<hbm>>
    %dma_wait3A_27 = arith.constant 0 : i32
    %dma_wait3A_28 = tpu.memref_slice %arg6[%add3A_24, %dma_wait3A_27] : memref<65536x768xf32, #tpu.memory_space<hbm>> -> memref<64x768xf32, #tpu.memory_space<hbm>>
    tpu.wait_dma2 semaphore(%arg15 : memref<!tpu.dma_semaphore, #tpu.memory_space<semaphore_mem>>) src(%arg11 : memref<64x768xf32, #tpu.memory_space<vmem>>) dst(%dma_wait3A_28 : memref<64x768xf32, #tpu.memory_space<hbm>>)
    return
  }
}

</mosaic_0001>

<sc_bundles>
// kernel: kernel.3.cloned.1.call-start
scs
__scs_entry_jumppad:
0x0: {  	(pc) =	sbr.rel $0x88, $3  }
0x1: {  	(tag) =	ssettag $0x0;
	lr =	simm.s32 $0x1  }
0x2: {  	[smem:$0x3F9C] =	sst lr;
	_ =	strace $0xD0000000  }
0x3: {  	_ = 	snop  }
0x4: {  	_ = 	snop  }
0x5: {  	_ = 	snop  }
0x6: {  	_ = 	snop  }
0x7: {  	_ = 	snop  }
__scs_overlays_trampoline_lowered:
0x8: {  	[smem:$0x3FAB] =	sst s0  }
0x9: {  	[smem:$0x3FAC] =	sst s1  }
0xa: {  	[smem:$0x3FAD] =	sst s2  }
0xb: {  	[smem:$0x3FAE] =	sst s3  }
0xc: {  	[smem:$0x3FAF] =	sst s4  }
0xd: {  	[smem:$0x3FB0] =	sst s5  }
0xe: {  	[smem:$0x3FB1] =	sst s6  }
0xf: {  	[smem:$0x3FB2] =	sst s7  }
0x10: {  	[smem:$0x3FB3] =	sst s8  }
0x11: {  	[smem:$0x3FB4] =	sst s9;
	s0 =	simm.s32 @!p0 $0x0  }
0x12: {  	s1 =	sld [smem:$0x3F9A];
	s0 =	simm.s32 @p0 $0x1  }
0x13: {  	[smem:$0x3FB5] =	sst s0;
	s0 =	simm.s32 @!p1 $0x0  }
0x14: {  	s2 =	sld [smem:$0x3F99];
	s0 =	simm.s32 @p1 $0x1  }
0x15: {  	[smem:$0x3FB6] =	sst s0;
	s0 =	simm.s32 @!p2 $0x0  }
0x16: {  	s3 =	sld [smem:$0x3FDB];
	s0 =	simm.s32 @p2 $0x1  }
0x17: {  	s4 =	simm.s32 $0x1BF5;
	[smem:$0x3FB8] =	sst s0  }
0x18: {  	s0 =	sld [smem:$0x3F9B];
	_ =	swait.ge [sflag:s4], $0x0  }
0x19: {  	s7 =	sld [smem:$0x3F9C]  }
0x1a: {  	s8 =	sadd.s32 $0xFFFFE003, lr  }
0x1b: {  	s9 =	sadd.s32 $0xFFFFFEF7, lr;
	s5 =	simm.s32 $0xFFFFFFFF;
	p2 =	slt.u32 s8, $0xFFFFF086  }
0x1c: {  	p1 =	slt.u32 s9, $0xF7A;
	s5 =	simm.s32 @!p2 $0x0  }
0x1d: {  	s5 =	simm.s32 @p1 $0x1;
	p0 =	seq.s32 s7, s2  }
0x1e: {  	s7 =	smul.u32 @!p0 $0xF7A, s2;
	p2 =	seq.s32 @!p0 s5, $0x0  }
0x1f: {  	s9 =	smul.u32 $0xF7A, s1;
	s8 =	simm.s32 @!p0 $0x1BF5;
	p2 =	por !p2, p0  }
0x20: {  	[sflag:s8] =	ssyncset.s32 @!p0 $0xFFFFF086;
	s6 =	sadd.s32 @!p0 s3, s7;
	s7 =	simm.s32 @!p0 $0x108  }
0x21: {  	s3 =	sadd.s32 s3, s9;
	s6 =	sadd.s32 @!p0 $0x88, s6;
	s7 =	simm.s32 @p2 $0x1082  }
0x22: {  	[simem:s7], [sflag:s8] =	dma.local @!p0 [hbm:s6], $0xF7A  }
0x23: {  	s9 =	sor.u32 $0xD0000000, s2;
	s6 =	simm.s32 $0x108;
	_ =	swait.ge @!p0 [sflag:s8], $0x0  }
0x24: {  	s3 =	sadd.s32 $0x88, s3;
	s6 =	simm.s32 @!p1 $0x1082;
	[sflag:s4] =	ssyncset.s32 $0xFFFFF086  }
0x25: {  	[simem:s6], [sflag:s4] =	dma.local [hbm:s3], $0xF7A  }
0x26: {  	[smem:$0x3F9C] =	sst s1;
	(tag) =	ssettag s2;
	_ =	strace s9  }
0x27: {  	s1 =	sld [smem:$0x3FAC]  }
0x28: {  	s2 =	sld [smem:$0x3FAD]  }
0x29: {  	s4 =	sld [smem:$0x3FAF]  }
0x2a: {  	p0 =	seq.s32 s5, $0x0;
	s5 =	sld [smem:$0x3FB0]  }
0x2b: {  	s6 =	sld [smem:$0x3FB1]  }
0x2c: {  	s7 =	sld [smem:$0x3FB2]  }
0x2d: {  	s3 =	simm.s32 $0x108;
	s8 =	sld [smem:$0x3FB3]  }
0x2e: {  	s3 =	simm.s32 @!p0 $0x1082;
	s9 =	sld [smem:$0x3FB4]  }
0x2f: {  	lr =	sadd.s32 s0, s3;
	s0 =	sld [smem:$0x3FAB]  }
0x30: {  	s3 =	sld [smem:$0x3FAE]  }
0x31: {  	[smem:$0x3FB7] =	sst s10  }
0x32: {  	s10 =	sld [smem:$0x3FB5];
	_ =	sdelay $0x3  }
0x33: {  	p0 =	seq.s32 s10, $0x1;
	s10 =	sld [smem:$0x3FB7];
	_ =	sdelay $0x3  }
0x34: {  	[smem:$0x3FB7] =	sst s10  }
0x35: {  	s10 =	sld [smem:$0x3FB6];
	_ =	sdelay $0x3  }
0x36: {  	p1 =	seq.s32 s10, $0x1;
	s10 =	sld [smem:$0x3FB7];
	_ =	sdelay $0x3  }
0x37: {  	[smem:$0x3FB7] =	sst s10  }
0x38: {  	s10 =	sld [smem:$0x3FB8]  }
0x39: {  	_ = 	snop;
	(pc) =	sbr.ind lr, $3  }
0x3a: {  	_ = 	snop  }
0x3b: {  	_ = 	snop  }
0x3c: {  	p2 =	seq.s32 s10, $0x1;
	s10 =	sld [smem:$0x3FB7]  }
0x3d: {  	_ =	shalt  }
0x3e: {  	_ =	shalt  }
0x3f: {  	_ =	shalt  }
0x40: {  	_ =	shalt  }
0x41: {  	_ =	shalt  }
0x42: {  	_ =	shalt  }
0x43: {  	_ =	shalt  }
0x44: {  	_ =	shalt  }
0x45: {  	_ =	shalt  }
0x46: {  	_ =	shalt  }
0x47: {  	_ =	shalt  }
0x48: {  	_ =	shalt  }
0x49: {  	_ =	shalt  }
0x4a: {  	_ =	shalt  }
0x4b: {  	_ =	shalt  }
0x4c: {  	_ =	shalt  }
0x4d: {  	_ =	shalt  }
0x4e: {  	_ =	shalt  }
0x4f: {  	_ =	shalt  }
0x50: {  	_ =	shalt  }
0x51: {  	_ =	shalt  }
0x52: {  	_ =	shalt  }
0x53: {  	_ =	shalt  }
0x54: {  	_ =	shalt  }
0x55: {  	_ =	shalt  }
0x56: {  	_ =	shalt  }
0x57: {  	_ =	shalt  }
0x58: {  	_ =	shalt  }
0x59: {  	_ =	shalt  }
0x5a: {  	_ =	shalt  }
0x5b: {  	_ =	shalt  }
0x5c: {  	_ =	shalt  }
0x5d: {  	_ =	shalt  }
0x5e: {  	_ =	shalt  }
0x5f: {  	_ =	shalt  }
0x60: {  	_ =	shalt  }
0x61: {  	_ =	shalt  }
0x62: {  	_ =	shalt  }
0x63: {  	_ =	shalt  }
0x64: {  	_ =	shalt  }
0x65: {  	_ =	shalt  }
0x66: {  	_ =	shalt  }
0x67: {  	_ =	shalt  }
0x68: {  	_ =	shalt  }
0x69: {  	_ =	shalt  }
0x6a: {  	_ =	shalt  }
0x6b: {  	_ =	shalt  }
0x6c: {  	_ =	shalt  }
0x6d: {  	_ =	shalt  }
0x6e: {  	_ =	shalt  }
0x6f: {  	_ =	shalt  }
0x70: {  	_ =	shalt  }
0x71: {  	_ =	shalt  }
0x72: {  	_ =	shalt  }
0x73: {  	_ =	shalt  }
0x74: {  	_ =	shalt  }
0x75: {  	_ =	shalt  }
0x76: {  	_ =	shalt  }
0x77: {  	_ =	shalt  }
0x78: {  	_ =	shalt  }
0x79: {  	_ =	shalt  }
0x7a: {  	_ =	shalt  }
0x7b: {  	_ =	shalt  }
0x7c: {  	_ =	shalt  }
0x7d: {  	_ =	shalt  }
0x7e: {  	_ =	shalt  }
0x7f: {  	_ =	shalt  }
0x80: {  	_ =	shalt  }
0x81: {  	_ =	shalt  }
0x82: {  	_ =	shalt  }
0x83: {  	_ =	shalt  }
0x84: {  	_ =	shalt  }
0x85: {  	_ =	shalt  }
0x86: {  	_ =	shalt  }
0x87: {  	_ =	shalt  }
.Lfunc_end0:
.L_simem_size_0:
called_computation_lowered:
.L_overlay_start_0:
0x88: {  	s2 =	sld [smem:$0x3FD9]  }
0x89: {  	s3 =	sld [smem:$0x3FFE];
	_ =	sdelay $0x1  }
0x8a: {  	s1 =	srdreg.scid  }
0x8b: {  	s0 =	sand.u32 $0x1, s1  }
0x8c: {  	s15 =	sshll.u32 s0, $0xA;
	s2 =	sadd.s32 s3, s2  }
0x8d: {  	s2 =	sadd.s32 s2, s15  }
0x8e: {  	[smem:$0x3FC3] =	sst s2  }
0x8f: {  	_ = 	snop  }
0x90: {  	s2 =	sld [smem:$0x3FC9]  }
0x91: {  	s16 =	sld [smem:$0x3FD0]  }
0x92: {  	s4 =	sld [smem:$0x3FC7]  }
0x93: {  	s5 =	sld [smem:$0x3FC6]  }
0x94: {  	s7 =	simm.s32 $0xA;
	s8 =	simm.s32 $0x10;
	s6 =	sld [smem:$0x3FC5]  }
0x95: {  	[smem:s8], [sflag:s7] =	dma.local [hbm:s16], $0x1  }
0x96: {  	_ =	swait.eq [sflag:s7], $0x1  }
0x97: {  	[sflag:s7] =	ssyncset.done $0x0  }
0x98: {  	[sflag:s7] =	ssyncadd.s32 $0xFFFFFFFF  }
0x99: {  	s17 =	sld [smem:$0x13];
	(tm) =	ssettm $0x1  }
0x9a: {  	s18 =	sld [smem:$0x3FFB];
	_ =	sdelay $0x3  }
0x9b: {  	_ =	strace s18  }
0x9c: {  	s7 =	sld [smem:$0x3FFC];
	_ =	sdelay $0x3  }
0x9d: {  	_ =	strace s7  }
0x9e: {  	s7 =	sld [smem:$0x3FFD];
	_ =	sdelay $0x3  }
0x9f: {  	_ =	strace s7  }
0xa0: {  	_ =	strace $0x8FFFFFFF  }
0xa1: {  	s19 =	sld [smem:$0x3FDB];
	_ =	sdelay $0x1  }
0xa2: {  	s20 =	simm.s32 $_scs_section_size  }
0xa3: {  	s9 =	simm.s32 $_size__tile_overlayer_lowered;
	s10 =	simm.s32 $_tile_overlayer_lowered  }
0xa4: {  	s23 =	simm.s32 $0x1BFF;
	s22 =	sshll.u32 s10, $0x1;
	s7 =	sadd.s32 s20, s19  }
0xa5: {  	s11 =	simm.s32 $0x0;
	s21 =	sshll.u32 s9, $0x1;
	s9 =	sadd.s32 s22, s7  }
0xa6: {  	[timem:s11], [sflag:s23] =	dma.local [hbm:s9], s21  }
0xa7: {  	_ =	swait.ge [sflag:s23], s21  }
0xa8: {  	s8 =	ssub.s32 $0x0, s21;
	[sflag:s23] =	ssyncset.done $0x0  }
0xa9: {  	[sflag:s23] =	ssyncadd.s32 s8;
	_ =	sdelay $0x1  }
0xaa: {  	s24 =	simm.s32 $0x1B8B  }
0xab: {  	_ =	swait.ge [sflag:s24], $0x1  }
0xac: {  	[sflag:s24] =	ssyncset.done $0x0  }
0xad: {  	s25 =	simm.s32 $0x1B8E;
	[sflag:s24] =	ssyncadd.s32 $0xFFFFFFFF  }
0xae: {  	s26 =	simm.s32 $execute0_lowered;
	[smem:$0x3FD2] =	sst s25  }
0xaf: {  	s8 =	sshll.u32 s26, $0x1;
	_ =	strace $0x80000046;
	[dreg:$0x1] =	wrdreg $0xFFFFFFFF  }
0xb0: {  	s28 =	simm.s32 $_size_execute0_lowered;
	s7 =	sadd.s32 s7, s8;
	[dreg:$0x0] =	wrdreg $0x0  }
0xb1: {  	s8 =	sshll.u32 s28, $0x1;
	[dreg:$0x2] =	wrdreg s7  }
0xb2: {  	[dreg:$0x3] =	wrdreg s8  }
0xb3: {  	[dreg:$0x4] =	wrdreg $0xC0  }
0xb4: {  	_ =	task [dreg:s11], $0x5FFFF  }
0xb5: {  	[dreg:$0x1] =	wrdreg $0xFFFFFFFF  }
0xb6: {  	[dreg:$0x0] =	wrdreg $0x60  }
0xb7: {  	[dreg:$0x2] =	wrdreg s2  }
0xb8: {  	[dreg:$0x3] =	wrdreg s4  }
0xb9: {  	[dreg:$0x4] =	wrdreg s5  }
0xba: {  	[dreg:$0x5] =	wrdreg s6  }
0xbb: {  	[dreg:$0x6] =	wrdreg s17  }
0xbc: {  	[dreg:$0x7] =	wrdreg $0x9  }
0xbd: {  	_ =	task.clear_ibuf [dreg:s11], $0x8FFFF;
	_ =	strace $0x90000046  }
0xbe: {  	s29 =	simm.s32 $0x9;
	_ =	strace $0x80000048  }
0xbf: {  	_ =	swait.ge [sflag:s29], $0x1  }
0xc0: {  	[sflag:s29] =	ssyncadd.s32 $0xFFFFFFFF  }
0xc1: {  	_ =	strace $0x90000048  }
0xc2: {  	_ =	sfence  }
0xc3: {  	s30 =	sld [smem:$0x0];
	_ =	sdelay $0x2  }
0xc4: {  	s31 =	sshll.u32 s1, $0xD;
	s1 =	sshrl.u32 s1, $0x2  }
0xc5: {  	s3 =	sand.u32 $0x4000, s31;
	s1 =	sadd.s32 s1, s30  }
0xc6: {  	s0 =	sor.u32 s3, s0;
	s1 =	sshll.u32 s1, $0x11  }
0xc7: {  	s0 =	sor.u32 s1, s0  }
0xc8: {  	s0 =	sadd.s32 $0x8F2B, s0  }
0xc9: {  	[sflag:s0] =	ssyncadd.remote.s32 $0x1  }
0xca: {  	_ =	sfence.sel $0xFFFF  }
0xcb: {  	[dreg:$0x0] =	wrdreg $0xFFFFFFFF;
	(pc) =	sbr.abs _section_cstart, $3  }
0xcc: {  	[dreg:$0x1] =	wrdreg $0xFFFFFFFF  }
0xcd: {  	_ =	task.clear_ibuf [dreg:s11], $0x2FFFF;
	_ =	strace $0x9FFFFFFF  }
0xce: {  	(tm) =	ssettm $0x7FFFFFFF  }
0xcf: {  	_ =	shalt  }
tec
execute0_lowered:
.L_overlay_start_1:
0x0: {  	(tag) =	ssettag $0x1  }
0x1: {  	s0 =	rddreg [dreg:$0x0]  }
0x2: {  	s1 =	rddreg [dreg:$0x1]  }
0x3: {  	s6 =	rddreg [dreg:$0x2]  }
0x4: {  	s2 =	rddreg [dreg:$0x3]  }
0x5: {  	s3 =	rddreg [dreg:$0x4]  }
0x6: {  	s4 =	srdreg.scid;
	s7 =	stileid.u32  }
0x7: {  	s15 =	simm.s32 $0x1880;
	s13 =	simm.s32 $0x1;
	s16 =	simm.s32 $0xD880  }
0x8: {  	s12 =	simm.s32 $0x16080;
	s14 =	simm.s32 $0x16880;
	s11 =	simm.s32 $0x18880  }
0x9: {  	s17 =	simm.s32 $0x19080;
	s18 =	simm.s32 $0x2;
	s19 =	simm.s32 $0x3  }
0xa: {  	s22 =	simm.s32 $0x0;
	s5 =	sand.u32 $0x1, s4;
	s4 =	simm.s32 $0x0  }
0xb: {  	s7 =	sshll.u32 s7, $0xC;
	s10 =	sadd.s32 $0x200, s2;
	s8 =	sshll.u32 s5, $0xB  }
0xc: {  	[smem:$0x7FF] =	sst s4;
	s9 =	ssub.s32 $0x2, s5;
	s5 =	sor.u32 s8, s7  }
0xd: {  	_ =	strace $0x80000047;
	s29 =	sshrl.u32 s9, $0x1;
	s8 =	sshrl.u32 s5, $0x3  }
0xe: {  	s7 =	ssub.s32 s9, s29;
	s9 =	sadd.s32 $0x100, s2;
	s6 =	sadd.s32 s6, s8  }
0xf: {  	s0 =	sadd.s32 s0, s8;
	s30 =	sadd.s32 s1, s8;
	[dreg:$0x6] =	wrdreg s6  }
0x10: {  	v2 =	vlaneseq.u32;
	s31 =	smax.u32 s7, $0x1;
	s1 =	simm.s32 $0x15880;
	[dreg:$0x7] =	wrdreg s0  }
0x11: {  	vm0 =	vmmov $0xffff;
	v1 =	vshrl.u32 v2, $0x3;
	s7 =	simm.s32 $0x17880;
	s8 =	simm.s32 $0x18080;
	[dreg:$0x8] =	wrdreg s30  }
0x12: {  	v0 =	vand.u32 $0x7, v2;
	v2 =	vor.u32 $0x8, v2;
	v1 =	vmul.u32 $0x8, v1;
	[dreg:$0x9] =	wrdreg s31;
	s0 =	simm.s32 $0x15080;
	s6 =	simm.s32 $0x17080  }
.LBB2_1:
0x13: {  	[dreg:$0xa] =	wrdreg s22  }
0x14: {  	s20 =	rddreg [dreg:$0x6];
	s21 =	simm.s32 $0x1000;
	s28 =	simm.s32 $0x5  }
0x15: {  	[tilespmem:s21], [sflag:$0x5] =	stream.linear.gather [hbm4b:s20+s4], $0x800, $0x38;
	[tilespmem:$0x19880] =	vst v63  }
0x16: {  	_ =	swait.ge [sflag:s28], $0x800  }
0x17: {  	[sflag:s28] =	ssyncset.done $0x0  }
0x18: {  	s29 =	rddreg [dreg:$0x7];
	[sflag:s28] =	ssyncadd.s32 $0xFFFFF800  }
0x19: {  	[tilespmem:s4], [sflag:$0x5] =	stream.linear.gather [hbm4b:s29+s4], $0x800, $0x38;
	[tilespmem:$0x19880] =	vst v63  }
0x1a: {  	_ =	swait.ge [sflag:s28], $0x800  }
0x1b: {  	[sflag:s28] =	ssyncset.done $0x0  }
0x1c: {  	s31 =	simm.s32 $0x800;
	s30 =	rddreg [dreg:$0x8];
	[sflag:s28] =	ssyncadd.s32 $0xFFFFF800  }
0x1d: {  	[tilespmem:s31], [sflag:$0x5] =	stream.linear.gather [hbm4b:s30+s4], $0x800, $0x38;
	[tilespmem:$0x19880] =	vst v63  }
0x1e: {  	_ =	swait.ge [sflag:s28], $0x800  }
0x1f: {  	[sflag:s28] =	ssyncset.done $0x0  }
0x20: {  	s20 =	simm.s32 $0x20;
	[sflag:s28] =	ssyncadd.s32 $0xFFFFF800  }
0x21: {  	s21 =	simm.s32 $0x820;
	v3 =	vld [tilespmem:s20+$0xFFFFFFE0]  }
0x22: {  	v4 =	vld [tilespmem:s21+$0xFFFFFFE0];
	_ =	sdelay $0x3  }
0x23: {  	v3 =	vshll.u32 v3, $0xE  }
0x24: {  	v3 =	vadd.s32 v4, v3  }
0x25: {  	[tilespmem:s20+$0xFFFFFFE0] =	vst v3;
	v3 =	vld [tilespmem:s20+$0xFFFFFFF0]  }
0x26: {  	v4 =	vld [tilespmem:s21+$0xFFFFFFF0];
	_ =	sdelay $0x3  }
0x27: {  	v3 =	vshll.u32 v3, $0xE  }
0x28: {  	v3 =	vadd.s32 v4, v3  }
0x29: {  	[tilespmem:s20+$0xFFFFFFF0] =	vst v3;
	v3 =	vld [tilespmem:s20+$0x0]  }
0x2a: {  	v4 =	vld [tilespmem:s21+$0x0];
	_ =	sdelay $0x3  }
0x2b: {  	v3 =	vshll.u32 v3, $0xE  }
0x2c: {  	v3 =	vadd.s32 v4, v3  }
0x2d: {  	[tilespmem:s20+$0x0] =	vst v3;
	v3 =	vld [tilespmem:s20+$0x10]  }
0x2e: {  	v4 =	vld [tilespmem:s21+$0x10];
	_ =	sdelay $0x3  }
0x2f: {  	v3 =	vshll.u32 v3, $0xE  }
0x30: {  	s22 =	simm.s32 $0x0;
	s23 =	simm.s32 $0x60;
	v3 =	vadd.s32 v4, v3  }
.LBB2_2:
0x31: {  	v4 =	vld [tilespmem:s23+$0xFFFFFFE0];
	s22 =	sadd.s32 $0x4, s22;
	[tilespmem:s20+$0x10] =	vst v3;
	s21 =	sadd.s32 $0x40, s21;
	s20 =	smov.u32 s23  }
0x32: {  	v3 =	vld [tilespmem:s21+$0xFFFFFFE0];
	p0 =	slt.u32 s22, $0x7C;
	_ =	sdelay $0x3  }
0x33: {  	v4 =	vshll.u32 v4, $0xE  }
0x34: {  	v3 =	vadd.s32 v3, v4  }
0x35: {  	[tilespmem:s23+$0xFFFFFFE0] =	vst v3;
	v3 =	vld [tilespmem:s23+$0xFFFFFFF0]  }
0x36: {  	v4 =	vld [tilespmem:s21+$0xFFFFFFF0];
	_ =	sdelay $0x3  }
0x37: {  	v3 =	vshll.u32 v3, $0xE  }
0x38: {  	v3 =	vadd.s32 v4, v3  }
0x39: {  	[tilespmem:s23+$0xFFFFFFF0] =	vst v3;
	v3 =	vld [tilespmem:s23+$0x0]  }
0x3a: {  	v4 =	vld [tilespmem:s21+$0x0];
	_ =	sdelay $0x3  }
0x3b: {  	v3 =	vshll.u32 v3, $0xE  }
0x3c: {  	v3 =	vadd.s32 v4, v3  }
0x3d: {  	[tilespmem:s23+$0x0] =	vst v3;
	v3 =	vld [tilespmem:s23+$0x10]  }
0x3e: {  	v4 =	vld [tilespmem:s21+$0x10]  }
.Ltmp0:
0x3f: {  	(pc) =	sbr.rel @p0 .LBB2_2-.Ltmp0, $3  }
0x40: {  	_ =	sdelay $0x1  }
0x41: {  	v3 =	vshll.u32 v3, $0xE  }
0x42: {  	s23 =	sadd.s32 $0x40, s23;
	v3 =	vadd.s32 v4, v3  }
0x43: {  	[tilespmem:s20+$0x10] =	vst v3  }
0x44: {  	v3 =	vld [tilespmem:$0x0];
	_ =	sdelay $0x4  }
0x45: {  	v4 =	vshrl.u32 v3, $0x3  }
0x46: {  	v4 =	vmul.u32 $0x30, v4  }
0x47: {  	v3 =	vand.u32 $0x7, v3  }
0x48: {  	v3 =	vor.u32 v3, v4  }
0x49: {  	v4 =	vperm.xlane v3, v0;
	_ =	sdelay $0x1  }
0x4a: {  	v4 =	vadd.s32 v1, v4;
	_ =	sdelay $0x3  }
0x4b: {  	s20 =	simm.s32 $0x0;
	v3 =	vperm.xlane v3, v2  }
0x4c: {  	[tilespmem:s15], [sflag:$0x1] =	stream.indirect_vreg.gather [hbm4b:s2+s20], $0x80, v4, vm0, $0xb8;
	[tilespmem:$0x19880] =	vst v63  }
0x4d: {  	s21 =	simm.s32 $0x2080;
	v3 =	vadd.s32 v1, v3  }
0x4e: {  	[tilespmem:s21], [sflag:$0x1] =	stream.indirect_vreg.gather [hbm4b:s9+s20], $0x80, v4, vm0, $0xb8;
	[tilespmem:$0x19880] =	vst v63  }
0x4f: {  	s28 =	simm.s32 $0x2880  }
0x50: {  	[tilespmem:s28], [sflag:$0x1] =	stream.indirect_vreg.gather [hbm4b:s10+s20], $0x80, v4, vm0, $0xb8;
	[tilespmem:$0x19880] =	vst v63  }
0x51: {  	s29 =	simm.s32 $0x3080  }
0x52: {  	[tilespmem:s29], [sflag:$0x1] =	stream.indirect_vreg.gather [hbm4b:s2+s20], $0x80, v3, vm0, $0xb8;
	[tilespmem:$0x19880] =	vst v63  }
0x53: {  	s30 =	simm.s32 $0x3880  }
0x54: {  	[tilespmem:s30], [sflag:$0x1] =	stream.indirect_vreg.gather [hbm4b:s9+s20], $0x80, v3, vm0, $0xb8;
	[tilespmem:$0x19880] =	vst v63  }
0x55: {  	s31 =	simm.s32 $0x4080  }
0x56: {  	[tilespmem:s31], [sflag:$0x1] =	stream.indirect_vreg.gather [hbm4b:s10+s20], $0x80, v3, vm0, $0xb8;
	[tilespmem:$0x19880] =	vst v63  }
0x57: {  	v3 =	vld [tilespmem:$0x10];
	_ =	sdelay $0x4  }
0x58: {  	v61 =	vshrl.u32 v3, $0x3  }
0x59: {  	v4 =	vmul.u32 $0x30, v61  }
0x5a: {  	v3 =	vand.u32 $0x7, v3  }
0x5b: {  	v3 =	vor.u32 v3, v4  }
0x5c: {  	v4 =	vperm.xlane v3, v0;
	_ =	sdelay $0x1  }
0x5d: {  	v4 =	vadd.s32 v1, v4;
	_ =	sdelay $0x3  }
0x5e: {  	s22 =	simm.s32 $0x4880;
	v3 =	vperm.xlane v3, v2  }
0x5f: {  	[tilespmem:s22], [sflag:$0x1] =	stream.indirect_vreg.gather [hbm4b:s2+s20], $0x80, v4, vm0, $0xb8;
	[tilespmem:$0x19880] =	vst v63  }
0x60: {  	s23 =	simm.s32 $0x5080;
	v3 =	vadd.s32 v1, v3  }
0x61: {  	[tilespmem:s23], [sflag:$0x1] =	stream.indirect_vreg.gather [hbm4b:s9+s20], $0x80, v4, vm0, $0xb8;
	[tilespmem:$0x19880] =	vst v63  }
0x62: {  	s24 =	simm.s32 $0x5880  }
0x63: {  	[tilespmem:s24], [sflag:$0x1] =	stream.indirect_vreg.gather [hbm4b:s10+s20], $0x80, v4, vm0, $0xb8;
	[tilespmem:$0x19880] =	vst v63  }
0x64: {  	s25 =	simm.s32 $0x6080  }
0x65: {  	[tilespmem:s25], [sflag:$0x1] =	stream.indirect_vreg.gather [hbm4b:s2+s20], $0x80, v3, vm0, $0xb8;
	[tilespmem:$0x19880] =	vst v63  }
0x66: {  	s26 =	simm.s32 $0x6880  }
0x67: {  	[tilespmem:s26], [sflag:$0x1] =	stream.indirect_vreg.gather [hbm4b:s9+s20], $0x80, v3, vm0, $0xb8;
	[tilespmem:$0x19880] =	vst v63  }
0x68: {  	s28 =	simm.s32 $0x7080  }
0x69: {  	[tilespmem:s28], [sflag:$0x1] =	stream.indirect_vreg.gather [hbm4b:s10+s20], $0x80, v3, vm0, $0xb8;
	[tilespmem:$0x19880] =	vst v63  }
0x6a: {  	v3 =	vld [tilespmem:$0x20];
	_ =	sdelay $0x4  }
0x6b: {  	v62 =	vshrl.u32 v3, $0x3  }
0x6c: {  	v4 =	vmul.u32 $0x30, v62  }
0x6d: {  	v3 =	vand.u32 $0x7, v3  }
0x6e: {  	v3 =	vor.u32 v3, v4  }
0x6f: {  	v4 =	vperm.xlane v3, v0;
	_ =	sdelay $0x1  }
0x70: {  	v4 =	vadd.s32 v1, v4;
	_ =	sdelay $0x3  }
0x71: {  	s29 =	simm.s32 $0x7880;
	v3 =	vperm.xlane v3, v2  }
0x72: {  	[tilespmem:s29], [sflag:$0x1] =	stream.indirect_vreg.gather [hbm4b:s2+s20], $0x80, v4, vm0, $0xb8;
	[tilespmem:$0x19880] =	vst v63  }
0x73: {  	s30 =	simm.s32 $0x8080;
	v3 =	vadd.s32 v1, v3  }
0x74: {  	[tilespmem:s30], [sflag:$0x1] =	stream.indirect_vreg.gather [hbm4b:s9+s20], $0x80, v4, vm0, $0xb8;
	[tilespmem:$0x19880] =	vst v63  }
0x75: {  	s31 =	simm.s32 $0x8880  }
0x76: {  	[tilespmem:s31], [sflag:$0x1] =	stream.indirect_vreg.gather [hbm4b:s10+s20], $0x80, v4, vm0, $0xb8;
	[tilespmem:$0x19880] =	vst v63  }
0x77: {  	s22 =	simm.s32 $0x9080  }
0x78: {  	[tilespmem:s22], [sflag:$0x1] =	stream.indirect_vreg.gather [hbm4b:s2+s20], $0x80, v3, vm0, $0xb8;
	[tilespmem:$0x19880] =	vst v63  }
0x79: {  	s23 =	simm.s32 $0x9880  }
0x7a: {  	[tilespmem:s23], [sflag:$0x1] =	stream.indirect_vreg.gather [hbm4b:s9+s20], $0x80, v3, vm0, $0xb8;
	[tilespmem:$0x19880] =	vst v63  }
0x7b: {  	s24 =	simm.s32 $0xA080  }
0x7c: {  	[tilespmem:s24], [sflag:$0x1] =	stream.indirect_vreg.gather [hbm4b:s10+s20], $0x80, v3, vm0, $0xb8;
	[tilespmem:$0x19880] =	vst v63  }
0x7d: {  	v3 =	vld [tilespmem:$0x30];
	_ =	sdelay $0x4  }
0x7e: {  	v63 =	vshrl.u32 v3, $0x3  }
0x7f: {  	v4 =	vmul.u32 $0x30, v63  }
0x80: {  	v3 =	vand.u32 $0x7, v3  }
0x81: {  	v3 =	vor.u32 v3, v4  }
0x82: {  	v4 =	vperm.xlane v3, v0;
	_ =	sdelay $0x1  }
0x83: {  	v4 =	vadd.s32 v1, v4;
	_ =	sdelay $0x3  }
0x84: {  	s25 =	simm.s32 $0xA880;
	v3 =	vperm.xlane v3, v2  }
0x85: {  	[tilespmem:s25], [sflag:$0x1] =	stream.indirect_vreg.gather [hbm4b:s2+s20], $0x80, v4, vm0, $0xb8;
	[tilespmem:$0x19880] =	vst v63  }
0x86: {  	s26 =	simm.s32 $0xB080;
	v3 =	vadd.s32 v1, v3  }
0x87: {  	[tilespmem:s26], [sflag:$0x1] =	stream.indirect_vreg.gather [hbm4b:s9+s20], $0x80, v4, vm0, $0xb8;
	[tilespmem:$0x19880] =	vst v63  }
0x88: {  	s28 =	simm.s32 $0xB880  }
0x89: {  	[tilespmem:s28], [sflag:$0x1] =	stream.indirect_vreg.gather [hbm4b:s10+s20], $0x80, v4, vm0, $0xb8;
	[tilespmem:$0x19880] =	vst v63  }
0x8a: {  	s29 =	simm.s32 $0xC080  }
0x8b: {  	[tilespmem:s29], [sflag:$0x1] =	stream.indirect_vreg.gather [hbm4b:s2+s20], $0x80, v3, vm0, $0xb8;
	[tilespmem:$0x19880] =	vst v63  }
0x8c: {  	s30 =	simm.s32 $0xC880;
	s31 =	simm.s32 $0xD080  }
0x8d: {  	[tilespmem:s30], [sflag:$0x1] =	stream.indirect_vreg.gather [hbm4b:s9+s20], $0x80, v3, vm0, $0xb8;
	[tilespmem:$0x19880] =	vst v63  }
0x8e: {  	s22 =	simm.s32 $0x1040;
	s23 =	simm.s32 $0x0;
	s26 =	simm.s32 $0x1000  }
0x8f: {  	[tilespmem:s31], [sflag:$0x1] =	stream.indirect_vreg.gather [hbm4b:s10+s20], $0x80, v3, vm0, $0xb8;
	[tilespmem:$0x19880] =	vst v63  }
.LBB2_4:
0x90: {  	_ =	swait.ge [sflag:s13], $0xC000  }
0x91: {  	p0 =	seq.s32 s23, $0x0;
	[sflag:s13] =	ssyncset.done $0x0  }
0x92: {  	s21 =	simm.s32 @!p0 $0x4;
	[sflag:s13] =	ssyncadd.s32 $0xFFFF4000  }
0x93: {  	s24 =	sshllo.u32 s23, $0x1;
	_ =	swait.ge @!p0 [sflag:s21], $0xC000  }
0x94: {  	s24 =	sshll.u32 s24, $0x6;
	[sflag:s21] =	ssyncset.done @!p0 $0x0  }
0x95: {  	[sflag:s21] =	ssyncadd.s32 @!p0 $0xFFFF4000;
	s21 =	sand.u32 $0x3FFFFFC0, s24  }
0x96: {  	v3 =	vld [tilespmem:s21+$0x0];
	_ =	sdelay $0x4  }
0x97: {  	v4 =	vshrl.u32 v3, $0x3  }
0x98: {  	v4 =	vmul.u32 $0x30, v4  }
0x99: {  	v3 =	vand.u32 $0x7, v3  }
0x9a: {  	v3 =	vor.u32 v3, v4  }
0x9b: {  	v4 =	vperm.xlane v3, v0;
	_ =	sdelay $0x1  }
0x9c: {  	v4 =	vadd.s32 v1, v4;
	_ =	sdelay $0x3  }
0x9d: {  	v3 =	vperm.xlane v3, v2  }
0x9e: {  	[tilespmem:s16], [sflag:$0x2] =	stream.indirect_vreg.gather [hbm4b:s2+s20], $0x80, v4, vm0, $0xb8;
	[tilespmem:$0x19880] =	vst v63  }
0x9f: {  	s25 =	simm.s32 $0xE080;
	v3 =	vadd.s32 v1, v3  }
0xa0: {  	[tilespmem:s25], [sflag:$0x2] =	stream.indirect_vreg.gather [hbm4b:s9+s20], $0x80, v4, vm0, $0xb8;
	[tilespmem:$0x19880] =	vst v63  }
0xa1: {  	s31 =	simm.s32 $0xE880  }
0xa2: {  	[tilespmem:s31], [sflag:$0x2] =	stream.indirect_vreg.gather [hbm4b:s10+s20], $0x80, v4, vm0, $0xb8;
	[tilespmem:$0x19880] =	vst v63  }
0xa3: {  	s30 =	simm.s32 $0xF080  }
0xa4: {  	[tilespmem:s30], [sflag:$0x2] =	stream.indirect_vreg.gather [hbm4b:s2+s20], $0x80, v3, vm0, $0xb8;
	[tilespmem:$0x19880] =	vst v63  }
0xa5: {  	s31 =	simm.s32 $0xF880  }
0xa6: {  	[tilespmem:s31], [sflag:$0x2] =	stream.indirect_vreg.gather [hbm4b:s9+s20], $0x80, v3, vm0, $0xb8;
	[tilespmem:$0x19880] =	vst v63  }
0xa7: {  	s30 =	simm.s32 $0x10080  }
0xa8: {  	[tilespmem:s30], [sflag:$0x2] =	stream.indirect_vreg.gather [hbm4b:s10+s20], $0x80, v3, vm0, $0xb8;
	[tilespmem:$0x19880] =	vst v63  }
0xa9: {  	v3 =	vld [tilespmem:s21+$0x10];
	_ =	sdelay $0x4  }
0xaa: {  	v61 =	vshrl.u32 v3, $0x3  }
0xab: {  	v4 =	vmul.u32 $0x30, v61  }
0xac: {  	v3 =	vand.u32 $0x7, v3  }
0xad: {  	v3 =	vor.u32 v3, v4  }
0xae: {  	v4 =	vperm.xlane v3, v0;
	_ =	sdelay $0x1  }
0xaf: {  	v4 =	vadd.s32 v1, v4;
	_ =	sdelay $0x3  }
0xb0: {  	s31 =	simm.s32 $0x10880;
	v3 =	vperm.xlane v3, v2  }
0xb1: {  	[tilespmem:s31], [sflag:$0x2] =	stream.indirect_vreg.gather [hbm4b:s2+s20], $0x80, v4, vm0, $0xb8;
	[tilespmem:$0x19880] =	vst v63  }
0xb2: {  	s30 =	simm.s32 $0x11080;
	v3 =	vadd.s32 v1, v3  }
0xb3: {  	[tilespmem:s30], [sflag:$0x2] =	stream.indirect_vreg.gather [hbm4b:s9+s20], $0x80, v4, vm0, $0xb8;
	[tilespmem:$0x19880] =	vst v63  }
0xb4: {  	s31 =	simm.s32 $0x11880  }
0xb5: {  	[tilespmem:s31], [sflag:$0x2] =	stream.indirect_vreg.gather [hbm4b:s10+s20], $0x80, v4, vm0, $0xb8;
	[tilespmem:$0x19880] =	vst v63  }
0xb6: {  	s30 =	simm.s32 $0x12080  }
0xb7: {  	[tilespmem:s30], [sflag:$0x2] =	stream.indirect_vreg.gather [hbm4b:s2+s20], $0x80, v3, vm0, $0xb8;
	[tilespmem:$0x19880] =	vst v63  }
0xb8: {  	s31 =	simm.s32 $0x12880  }
0xb9: {  	[tilespmem:s31], [sflag:$0x2] =	stream.indirect_vreg.gather [hbm4b:s9+s20], $0x80, v3, vm0, $0xb8;
	[tilespmem:$0x19880] =	vst v63  }
0xba: {  	s30 =	simm.s32 $0x13080  }
0xbb: {  	[tilespmem:s30], [sflag:$0x2] =	stream.indirect_vreg.gather [hbm4b:s10+s20], $0x80, v3, vm0, $0xb8;
	[tilespmem:$0x19880] =	vst v63  }
0xbc: {  	v3 =	vld [tilespmem:s21+$0x20];
	_ =	sdelay $0x4  }
0xbd: {  	v62 =	vshrl.u32 v3, $0x3  }
0xbe: {  	v4 =	vmul.u32 $0x30, v62  }
0xbf: {  	v3 =	vand.u32 $0x7, v3  }
0xc0: {  	v3 =	vor.u32 v3, v4  }
0xc1: {  	v4 =	vperm.xlane v3, v0;
	_ =	sdelay $0x1  }
0xc2: {  	v4 =	vadd.s32 v1, v4;
	_ =	sdelay $0x3  }
0xc3: {  	s31 =	simm.s32 $0x13880;
	v3 =	vperm.xlane v3, v2  }
0xc4: {  	[tilespmem:s31], [sflag:$0x2] =	stream.indirect_vreg.gather [hbm4b:s2+s20], $0x80, v4, vm0, $0xb8;
	[tilespmem:$0x19880] =	vst v63  }
0xc5: {  	s30 =	simm.s32 $0x14080;
	v3 =	vadd.s32 v1, v3  }
0xc6: {  	[tilespmem:s30], [sflag:$0x2] =	stream.indirect_vreg.gather [hbm4b:s9+s20], $0x80, v4, vm0, $0xb8;
	[tilespmem:$0x19880] =	vst v63  }
0xc7: {  	s31 =	simm.s32 $0x14880  }
0xc8: {  	[tilespmem:s31], [sflag:$0x2] =	stream.indirect_vreg.gather [hbm4b:s10+s20], $0x80, v4, vm0, $0xb8;
	[tilespmem:$0x19880] =	vst v63  }
0xc9: {  	_ = 	snop  }
0xca: {  	[tilespmem:s0], [sflag:$0x2] =	stream.indirect_vreg.gather [hbm4b:s2+s20], $0x80, v3, vm0, $0xb8;
	[tilespmem:$0x19880] =	vst v63  }
0xcb: {  	_ = 	snop  }
0xcc: {  	[tilespmem:s1], [sflag:$0x2] =	stream.indirect_vreg.gather [hbm4b:s9+s20], $0x80, v3, vm0, $0xb8;
	[tilespmem:$0x19880] =	vst v63  }
0xcd: {  	_ = 	snop  }
0xce: {  	[tilespmem:s12], [sflag:$0x2] =	stream.indirect_vreg.gather [hbm4b:s10+s20], $0x80, v3, vm0, $0xb8;
	[tilespmem:$0x19880] =	vst v63  }
0xcf: {  	v3 =	vld [tilespmem:s21+$0x30];
	_ =	sdelay $0x4  }
0xd0: {  	v63 =	vshrl.u32 v3, $0x3  }
0xd1: {  	v4 =	vmul.u32 $0x30, v63  }
0xd2: {  	v3 =	vand.u32 $0x7, v3  }
0xd3: {  	v3 =	vor.u32 v3, v4  }
0xd4: {  	v4 =	vperm.xlane v3, v0;
	_ =	sdelay $0x1  }
0xd5: {  	v4 =	vadd.s32 v1, v4;
	_ =	sdelay $0x3  }
0xd6: {  	v3 =	vperm.xlane v3, v2  }
0xd7: {  	[tilespmem:s14], [sflag:$0x2] =	stream.indirect_vreg.gather [hbm4b:s2+s20], $0x80, v4, vm0, $0xb8;
	[tilespmem:$0x19880] =	vst v63  }
0xd8: {  	v3 =	vadd.s32 v1, v3  }
0xd9: {  	[tilespmem:s6], [sflag:$0x2] =	stream.indirect_vreg.gather [hbm4b:s9+s20], $0x80, v4, vm0, $0xb8;
	[tilespmem:$0x19880] =	vst v63  }
0xda: {  	_ = 	snop  }
0xdb: {  	[tilespmem:s7], [sflag:$0x2] =	stream.indirect_vreg.gather [hbm4b:s10+s20], $0x80, v4, vm0, $0xb8;
	[tilespmem:$0x19880] =	vst v63  }
0xdc: {  	_ = 	snop  }
0xdd: {  	[tilespmem:s8], [sflag:$0x2] =	stream.indirect_vreg.gather [hbm4b:s2+s20], $0x80, v3, vm0, $0xb8;
	[tilespmem:$0x19880] =	vst v63  }
0xde: {  	s28 =	simm.s32 $0x0  }
0xdf: {  	[tilespmem:s11], [sflag:$0x2] =	stream.indirect_vreg.gather [hbm4b:s9+s20], $0x80, v3, vm0, $0xb8;
	[tilespmem:$0x19880] =	vst v63  }
0xe0: {  	s29 =	simm.s32 $0x0;
	s25 =	sshll.u32 s23, $0x9;
	s21 =	smov.u32 s26  }
0xe1: {  	[tilespmem:s17], [sflag:$0x2] =	stream.indirect_vreg.gather [hbm4b:s10+s20], $0x80, v3, vm0, $0xb8;
	[tilespmem:$0x19880] =	vst v63  }
.LBB2_5:
0xe2: {  	s30 =	sshrl.u32 s29, $0x3  }
0xe3: {  	s30 =	smul.u32 $0x6000, s30;
	_ =	sdelay $0x1  }
0xe4: {  	s31 =	sand.u32 $0x380, s28;
	s30 =	sshra.s32 s30, $0x2  }
0xe5: {  	v3 =	vld.msk [tilespmem:s21+$0x0 ss:$0x0], $0xffff;
	s30 =	sor.u32 s31, s30  }
0xe6: {  	v4 =	vld [tilespmem:s30+$0x1880]  }
0xe7: {  	v5 =	vld [tilespmem:s30+$0x1890]  }
0xe8: {  	v6 =	vld [tilespmem:s30+$0x18A0]  }
0xe9: {  	v7 =	vld [tilespmem:s30+$0x18B0]  }
0xea: {  	v8 =	vld [tilespmem:s30+$0x18C0]  }
0xeb: {  	v9 =	vld [tilespmem:s30+$0x18D0];
	v4 =	vmul.f32 v3, v4  }
0xec: {  	v10 =	vld [tilespmem:s30+$0x18E0];
	v5 =	vmul.f32 v5, v3  }
0xed: {  	v31 =	vld [tilespmem:s30+$0x18F0];
	v30 =	vmul.f32 v6, v3;
	[tilespmem:s30+$0x1880] =	vst v4  }
0xee: {  	v33 =	vld [tilespmem:s30+$0x1C80];
	v32 =	vmul.f32 v7, v3;
	[tilespmem:s30+$0x1890] =	vst v5  }
0xef: {  	v35 =	vld [tilespmem:s30+$0x1C90];
	v34 =	vmul.f32 v8, v3;
	[tilespmem:s30+$0x18A0] =	vst v30  }
0xf0: {  	v37 =	vld [tilespmem:s30+$0x1CA0];
	v36 =	vmul.f32 v9, v3;
	[tilespmem:s30+$0x18B0] =	vst v32  }
0xf1: {  	v39 =	vld [tilespmem:s30+$0x1CB0];
	v38 =	vmul.f32 v10, v3;
	[tilespmem:s30+$0x18C0] =	vst v34  }
0xf2: {  	v41 =	vld [tilespmem:s30+$0x1CC0];
	v40 =	vmul.f32 v31, v3;
	[tilespmem:s30+$0x18D0] =	vst v36  }
0xf3: {  	v43 =	vld [tilespmem:s30+$0x1CD0];
	v42 =	vmul.f32 v33, v3;
	[tilespmem:s30+$0x18E0] =	vst v38  }
0xf4: {  	v45 =	vld [tilespmem:s30+$0x1CE0];
	v44 =	vmul.f32 v35, v3;
	[tilespmem:s30+$0x18F0] =	vst v40  }
0xf5: {  	v47 =	vld [tilespmem:s30+$0x1CF0];
	v46 =	vmul.f32 v37, v3;
	[tilespmem:s30+$0x1C80] =	vst v42  }
0xf6: {  	v49 =	vld [tilespmem:s30+$0x2080];
	v48 =	vmul.f32 v39, v3;
	[tilespmem:s30+$0x1C90] =	vst v44  }
0xf7: {  	v51 =	vld [tilespmem:s30+$0x2090];
	v50 =	vmul.f32 v41, v3;
	[tilespmem:s30+$0x1CA0] =	vst v46  }
0xf8: {  	v53 =	vld [tilespmem:s30+$0x20A0];
	v52 =	vmul.f32 v43, v3;
	[tilespmem:s30+$0x1CB0] =	vst v48  }
0xf9: {  	v55 =	vld [tilespmem:s30+$0x20B0];
	v54 =	vmul.f32 v45, v3;
	[tilespmem:s30+$0x1CC0] =	vst v50  }
0xfa: {  	v57 =	vld [tilespmem:s30+$0x20C0];
	v56 =	vmul.f32 v47, v3;
	[tilespmem:s30+$0x1CD0] =	vst v52  }
0xfb: {  	v59 =	vld [tilespmem:s30+$0x20D0];
	v58 =	vmul.f32 v49, v3;
	[tilespmem:s30+$0x1CE0] =	vst v54  }
0xfc: {  	v61 =	vld [tilespmem:s30+$0x20E0];
	v60 =	vmul.f32 v51, v3;
	[tilespmem:s30+$0x1CF0] =	vst v56  }
0xfd: {  	v63 =	vld [tilespmem:s30+$0x20F0];
	v62 =	vmul.f32 v53, v3;
	[tilespmem:s30+$0x2080] =	vst v58  }
0xfe: {  	v13 =	vld [tilespmem:s30+$0x2480];
	v12 =	vmul.f32 v55, v3;
	[tilespmem:s30+$0x2090] =	vst v60  }
0xff: {  	v15 =	vld [tilespmem:s30+$0x2490];
	v14 =	vmul.f32 v57, v3;
	[tilespmem:s30+$0x20A0] =	vst v62  }
0x100: {  	v17 =	vld [tilespmem:s30+$0x24A0];
	v16 =	vmul.f32 v59, v3;
	[tilespmem:s30+$0x20B0] =	vst v12  }
0x101: {  	v19 =	vld [tilespmem:s30+$0x24B0];
	v18 =	vmul.f32 v61, v3;
	[tilespmem:s30+$0x20C0] =	vst v14  }
0x102: {  	v21 =	vld [tilespmem:s30+$0x24C0];
	v20 =	vmul.f32 v63, v3;
	[tilespmem:s30+$0x20D0] =	vst v16  }
0x103: {  	v23 =	vld [tilespmem:s30+$0x24D0];
	v22 =	vmul.f32 v13, v3;
	[tilespmem:s30+$0x20E0] =	vst v18  }
0x104: {  	v25 =	vld [tilespmem:s30+$0x24E0];
	v24 =	vmul.f32 v15, v3;
	[tilespmem:s30+$0x20F0] =	vst v20  }
0x105: {  	v27 =	vld [tilespmem:s30+$0x24F0];
	v26 =	vmul.f32 v17, v3;
	[tilespmem:s30+$0x2480] =	vst v22  }
0x106: {  	v29 =	vld [tilespmem:s30+$0x2880];
	v28 =	vmul.f32 v19, v3;
	[tilespmem:s30+$0x2490] =	vst v24  }
0x107: {  	v31 =	vld [tilespmem:s30+$0x2890];
	[tilespmem:s30+$0x24A0] =	vst v26;
	v30 =	vmul.f32 v21, v3  }
0x108: {  	v33 =	vld [tilespmem:s30+$0x28A0];
	[tilespmem:s30+$0x24B0] =	vst v28;
	v32 =	vmul.f32 v23, v3  }
0x109: {  	v35 =	vld [tilespmem:s30+$0x28B0];
	v34 =	vmul.f32 v25, v3;
	[tilespmem:s30+$0x24C0] =	vst v30  }
0x10a: {  	v37 =	vld [tilespmem:s30+$0x28C0];
	v36 =	vmul.f32 v27, v3;
	[tilespmem:s30+$0x24D0] =	vst v32  }
0x10b: {  	v39 =	vld [tilespmem:s30+$0x28D0];
	v38 =	vmul.f32 v29, v3;
	[tilespmem:s30+$0x24E0] =	vst v34  }
0x10c: {  	v41 =	vld [tilespmem:s30+$0x28E0];
	[tilespmem:s30+$0x24F0] =	vst v36;
	v40 =	vmul.f32 v31, v3  }
0x10d: {  	v43 =	vld [tilespmem:s30+$0x28F0];
	[tilespmem:s30+$0x2880] =	vst v38;
	v42 =	vmul.f32 v33, v3  }
0x10e: {  	v45 =	vld [tilespmem:s30+$0x2C80];
	v44 =	vmul.f32 v35, v3;
	[tilespmem:s30+$0x2890] =	vst v40  }
0x10f: {  	v47 =	vld [tilespmem:s30+$0x2C90];
	v46 =	vmul.f32 v37, v3;
	[tilespmem:s30+$0x28A0] =	vst v42  }
0x110: {  	v49 =	vld [tilespmem:s30+$0x2CA0];
	v48 =	vmul.f32 v39, v3;
	[tilespmem:s30+$0x28B0] =	vst v44  }
0x111: {  	v51 =	vld [tilespmem:s30+$0x2CB0];
	v50 =	vmul.f32 v41, v3;
	[tilespmem:s30+$0x28C0] =	vst v46  }
0x112: {  	v53 =	vld [tilespmem:s30+$0x2CC0];
	v52 =	vmul.f32 v43, v3;
	[tilespmem:s30+$0x28D0] =	vst v48  }
0x113: {  	v55 =	vld [tilespmem:s30+$0x2CD0];
	v54 =	vmul.f32 v45, v3;
	[tilespmem:s30+$0x28E0] =	vst v50  }
0x114: {  	v57 =	vld [tilespmem:s30+$0x2CE0];
	v56 =	vmul.f32 v47, v3;
	[tilespmem:s30+$0x28F0] =	vst v52  }
0x115: {  	v59 =	vld [tilespmem:s30+$0x2CF0];
	v58 =	vmul.f32 v49, v3;
	[tilespmem:s30+$0x2C80] =	vst v54  }
0x116: {  	v60 =	vmul.f32 v51, v3;
	[tilespmem:s30+$0x2C90] =	vst v56  }
0x117: {  	p0 =	sne.s32 s29, $0x3F;
	v61 =	vmul.f32 v53, v3;
	[tilespmem:s30+$0x2CA0] =	vst v58  }
.Ltmp1:
0x118: {  	v62 =	vmul.f32 v55, v3;
	[tilespmem:s30+$0x2CB0] =	vst v60;
	(pc) =	sbr.rel @p0 .LBB2_5-.Ltmp1, $4  }
0x119: {  	v63 =	vmul.f32 v57, v3;
	[tilespmem:s30+$0x2CC0] =	vst v61  }
0x11a: {  	v3 =	vmul.f32 v59, v3;
	[tilespmem:s30+$0x2CD0] =	vst v62  }
0x11b: {  	[tilespmem:s30+$0x2CE0] =	vst v63  }
0x11c: {  	s28 =	sadd.s32 $0x80, s28;
	s21 =	sadd.s32 $0x1, s21;
	s29 =	sadd.s32 $0x1, s29;
	[tilespmem:s30+$0x2CF0] =	vst v3  }
0x11d: {  	s21 =	sshll.u32 s23, $0x7  }
0x11e: {  	s21 =	sadd.s32 s5, s21  }
0x11f: {  	s21 =	sshrl.u32 s21, $0x3  }
0x120: {  	s21 =	smul.u32 $0x300, s21  }
0x121: {  	p0 =	seq.s32 s23, $0xF  }
.Ltmp2:
0x122: {  	s21 =	sadd.s32 s3, s21;
	(pc) =	sbr.rel @p0 .LBB2_8-.Ltmp2, $4  }
0x123: {  	[hbm4b:s21+s4] =	stream.linear.scatter [tilespmem:s15], [sflag:$0x3], $0xC000, $0x38;
	[tilespmem:$0x19880] =	vst v63  }
0x124: {  	_ =	swait.ge [sflag:s18], $0xC000  }
0x125: {  	[sflag:s18] =	ssyncset.done $0x0  }
0x126: {  	[sflag:s18] =	ssyncadd.s32 $0xFFFF4000  }
0x127: {  	_ =	swait.ge [sflag:s19], $0xC000  }
0x128: {  	[sflag:s19] =	ssyncset.done $0x0  }
0x129: {  	s21 =	sshrl.u32 s25, $0x2;
	[sflag:s19] =	ssyncadd.s32 $0xFFFF4000  }
0x12a: {  	v3 =	vld [tilespmem:s21+$0x80];
	_ =	sdelay $0x4  }
0x12b: {  	v4 =	vshrl.u32 v3, $0x3  }
0x12c: {  	v4 =	vmul.u32 $0x30, v4  }
0x12d: {  	v3 =	vand.u32 $0x7, v3  }
0x12e: {  	v3 =	vor.u32 v3, v4  }
0x12f: {  	v4 =	vperm.xlane v3, v0;
	_ =	sdelay $0x1  }
0x130: {  	v4 =	vadd.s32 v1, v4;
	_ =	sdelay $0x3  }
0x131: {  	v3 =	vperm.xlane v3, v2  }
0x132: {  	[tilespmem:s15], [sflag:$0x1] =	stream.indirect_vreg.gather [hbm4b:s2+s4], $0x80, v4, vm0, $0xb8;
	[tilespmem:$0x19880] =	vst v63  }
0x133: {  	s30 =	simm.s32 $0x2080;
	v3 =	vadd.s32 v1, v3  }
0x134: {  	[tilespmem:s30], [sflag:$0x1] =	stream.indirect_vreg.gather [hbm4b:s9+s4], $0x80, v4, vm0, $0xb8;
	[tilespmem:$0x19880] =	vst v63  }
0x135: {  	s31 =	simm.s32 $0x2880  }
0x136: {  	[tilespmem:s31], [sflag:$0x1] =	stream.indirect_vreg.gather [hbm4b:s10+s4], $0x80, v4, vm0, $0xb8;
	[tilespmem:$0x19880] =	vst v63  }
0x137: {  	s28 =	simm.s32 $0x3080  }
0x138: {  	[tilespmem:s28], [sflag:$0x1] =	stream.indirect_vreg.gather [hbm4b:s2+s4], $0x80, v3, vm0, $0xb8;
	[tilespmem:$0x19880] =	vst v63  }
0x139: {  	s29 =	simm.s32 $0x3880  }
0x13a: {  	[tilespmem:s29], [sflag:$0x1] =	stream.indirect_vreg.gather [hbm4b:s9+s4], $0x80, v3, vm0, $0xb8;
	[tilespmem:$0x19880] =	vst v63  }
0x13b: {  	s30 =	simm.s32 $0x4080  }
0x13c: {  	[tilespmem:s30], [sflag:$0x1] =	stream.indirect_vreg.gather [hbm4b:s10+s4], $0x80, v3, vm0, $0xb8;
	[tilespmem:$0x19880] =	vst v63  }
0x13d: {  	v3 =	vld [tilespmem:s21+$0x90];
	_ =	sdelay $0x4  }
0x13e: {  	v61 =	vshrl.u32 v3, $0x3  }
0x13f: {  	v4 =	vmul.u32 $0x30, v61  }
0x140: {  	v3 =	vand.u32 $0x7, v3  }
0x141: {  	v3 =	vor.u32 v3, v4  }
0x142: {  	v4 =	vperm.xlane v3, v0;
	_ =	sdelay $0x1  }
0x143: {  	v4 =	vadd.s32 v1, v4;
	_ =	sdelay $0x3  }
0x144: {  	s31 =	simm.s32 $0x4880;
	v3 =	vperm.xlane v3, v2  }
0x145: {  	[tilespmem:s31], [sflag:$0x1] =	stream.indirect_vreg.gather [hbm4b:s2+s4], $0x80, v4, vm0, $0xb8;
	[tilespmem:$0x19880] =	vst v63  }
0x146: {  	s28 =	simm.s32 $0x5080;
	v3 =	vadd.s32 v1, v3  }
0x147: {  	[tilespmem:s28], [sflag:$0x1] =	stream.indirect_vreg.gather [hbm4b:s9+s4], $0x80, v4, vm0, $0xb8;
	[tilespmem:$0x19880] =	vst v63  }
0x148: {  	s29 =	simm.s32 $0x5880  }
0x149: {  	[tilespmem:s29], [sflag:$0x1] =	stream.indirect_vreg.gather [hbm4b:s10+s4], $0x80, v4, vm0, $0xb8;
	[tilespmem:$0x19880] =	vst v63  }
0x14a: {  	s30 =	simm.s32 $0x6080  }
0x14b: {  	[tilespmem:s30], [sflag:$0x1] =	stream.indirect_vreg.gather [hbm4b:s2+s4], $0x80, v3, vm0, $0xb8;
	[tilespmem:$0x19880] =	vst v63  }
0x14c: {  	s31 =	simm.s32 $0x6880  }
0x14d: {  	[tilespmem:s31], [sflag:$0x1] =	stream.indirect_vreg.gather [hbm4b:s9+s4], $0x80, v3, vm0, $0xb8;
	[tilespmem:$0x19880] =	vst v63  }
0x14e: {  	s28 =	simm.s32 $0x7080  }
0x14f: {  	[tilespmem:s28], [sflag:$0x1] =	stream.indirect_vreg.gather [hbm4b:s10+s4], $0x80, v3, vm0, $0xb8;
	[tilespmem:$0x19880] =	vst v63  }
0x150: {  	v3 =	vld [tilespmem:s21+$0xA0];
	_ =	sdelay $0x4  }
0x151: {  	v62 =	vshrl.u32 v3, $0x3  }
0x152: {  	v4 =	vmul.u32 $0x30, v62  }
0x153: {  	v3 =	vand.u32 $0x7, v3  }
0x154: {  	v3 =	vor.u32 v3, v4  }
0x155: {  	v4 =	vperm.xlane v3, v0;
	_ =	sdelay $0x1  }
0x156: {  	v4 =	vadd.s32 v1, v4;
	_ =	sdelay $0x3  }
0x157: {  	s29 =	simm.s32 $0x7880;
	v3 =	vperm.xlane v3, v2  }
0x158: {  	[tilespmem:s29], [sflag:$0x1] =	stream.indirect_vreg.gather [hbm4b:s2+s4], $0x80, v4, vm0, $0xb8;
	[tilespmem:$0x19880] =	vst v63  }
0x159: {  	s30 =	simm.s32 $0x8080;
	v3 =	vadd.s32 v1, v3  }
0x15a: {  	[tilespmem:s30], [sflag:$0x1] =	stream.indirect_vreg.gather [hbm4b:s9+s4], $0x80, v4, vm0, $0xb8;
	[tilespmem:$0x19880] =	vst v63  }
0x15b: {  	s31 =	simm.s32 $0x8880  }
0x15c: {  	[tilespmem:s31], [sflag:$0x1] =	stream.indirect_vreg.gather [hbm4b:s10+s4], $0x80, v4, vm0, $0xb8;
	[tilespmem:$0x19880] =	vst v63  }
0x15d: {  	s28 =	simm.s32 $0x9080  }
0x15e: {  	[tilespmem:s28], [sflag:$0x1] =	stream.indirect_vreg.gather [hbm4b:s2+s4], $0x80, v3, vm0, $0xb8;
	[tilespmem:$0x19880] =	vst v63  }
0x15f: {  	s29 =	simm.s32 $0x9880  }
0x160: {  	[tilespmem:s29], [sflag:$0x1] =	stream.indirect_vreg.gather [hbm4b:s9+s4], $0x80, v3, vm0, $0xb8;
	[tilespmem:$0x19880] =	vst v63  }
0x161: {  	s30 =	simm.s32 $0xA080  }
0x162: {  	[tilespmem:s30], [sflag:$0x1] =	stream.indirect_vreg.gather [hbm4b:s10+s4], $0x80, v3, vm0, $0xb8;
	[tilespmem:$0x19880] =	vst v63  }
0x163: {  	v3 =	vld [tilespmem:s21+$0xB0];
	_ =	sdelay $0x4  }
0x164: {  	v63 =	vshrl.u32 v3, $0x3  }
0x165: {  	v4 =	vmul.u32 $0x30, v63  }
0x166: {  	v3 =	vand.u32 $0x7, v3  }
0x167: {  	v3 =	vor.u32 v3, v4  }
0x168: {  	v4 =	vperm.xlane v3, v0;
	_ =	sdelay $0x1  }
0x169: {  	v4 =	vadd.s32 v1, v4;
	_ =	sdelay $0x3  }
0x16a: {  	s31 =	simm.s32 $0xA880;
	v3 =	vperm.xlane v3, v2  }
0x16b: {  	[tilespmem:s31], [sflag:$0x1] =	stream.indirect_vreg.gather [hbm4b:s2+s4], $0x80, v4, vm0, $0xb8;
	[tilespmem:$0x19880] =	vst v63  }
0x16c: {  	s25 =	simm.s32 $0xB080;
	v3 =	vadd.s32 v1, v3  }
0x16d: {  	[tilespmem:s25], [sflag:$0x1] =	stream.indirect_vreg.gather [hbm4b:s9+s4], $0x80, v4, vm0, $0xb8;
	[tilespmem:$0x19880] =	vst v63  }
0x16e: {  	s28 =	simm.s32 $0xB880  }
0x16f: {  	[tilespmem:s28], [sflag:$0x1] =	stream.indirect_vreg.gather [hbm4b:s10+s4], $0x80, v4, vm0, $0xb8;
	[tilespmem:$0x19880] =	vst v63  }
0x170: {  	s29 =	simm.s32 $0xC080  }
0x171: {  	[tilespmem:s29], [sflag:$0x1] =	stream.indirect_vreg.gather [hbm4b:s2+s4], $0x80, v3, vm0, $0xb8;
	[tilespmem:$0x19880] =	vst v63  }
0x172: {  	s30 =	simm.s32 $0xC880  }
0x173: {  	[tilespmem:s30], [sflag:$0x1] =	stream.indirect_vreg.gather [hbm4b:s9+s4], $0x80, v3, vm0, $0xb8;
	[tilespmem:$0x19880] =	vst v63  }
0x174: {  	s31 =	simm.s32 $0xD080  }
0x175: {  	[tilespmem:s31], [sflag:$0x1] =	stream.indirect_vreg.gather [hbm4b:s10+s4], $0x80, v3, vm0, $0xb8;
	[tilespmem:$0x19880] =	vst v63  }
.LBB2_8:
0x176: {  	s21 =	simm.s32 $0x0;
	s25 =	smov.u32 s22;
	s28 =	simm.s32 $0x0  }
.LBB2_9:
0x177: {  	s29 =	sshrl.u32 s28, $0x3  }
0x178: {  	s29 =	smul.u32 $0x6000, s29;
	_ =	sdelay $0x1  }
0x179: {  	s30 =	sand.u32 $0x380, s21;
	s29 =	sshra.s32 s29, $0x2  }
0x17a: {  	v3 =	vld.msk [tilespmem:s25+$0x0 ss:$0x0], $0xffff;
	s29 =	sor.u32 s30, s29  }
0x17b: {  	v4 =	vld [tilespmem:s29+$0xD880]  }
0x17c: {  	v5 =	vld [tilespmem:s29+$0xD890]  }
0x17d: {  	v6 =	vld [tilespmem:s29+$0xD8A0]  }
0x17e: {  	v7 =	vld [tilespmem:s29+$0xD8B0]  }
0x17f: {  	v8 =	vld [tilespmem:s29+$0xD8C0]  }
0x180: {  	v9 =	vld [tilespmem:s29+$0xD8D0];
	v4 =	vmul.f32 v3, v4  }
0x181: {  	v10 =	vld [tilespmem:s29+$0xD8E0];
	v5 =	vmul.f32 v5, v3  }
0x182: {  	v31 =	vld [tilespmem:s29+$0xD8F0];
	v30 =	vmul.f32 v6, v3;
	[tilespmem:s29+$0xD880] =	vst v4  }
0x183: {  	v33 =	vld [tilespmem:s29+$0xDC80];
	v32 =	vmul.f32 v7, v3;
	[tilespmem:s29+$0xD890] =	vst v5  }
0x184: {  	v35 =	vld [tilespmem:s29+$0xDC90];
	v34 =	vmul.f32 v8, v3;
	[tilespmem:s29+$0xD8A0] =	vst v30  }
0x185: {  	v37 =	vld [tilespmem:s29+$0xDCA0];
	v36 =	vmul.f32 v9, v3;
	[tilespmem:s29+$0xD8B0] =	vst v32  }
0x186: {  	v39 =	vld [tilespmem:s29+$0xDCB0];
	v38 =	vmul.f32 v10, v3;
	[tilespmem:s29+$0xD8C0] =	vst v34  }
0x187: {  	v41 =	vld [tilespmem:s29+$0xDCC0];
	v40 =	vmul.f32 v31, v3;
	[tilespmem:s29+$0xD8D0] =	vst v36  }
0x188: {  	v43 =	vld [tilespmem:s29+$0xDCD0];
	v42 =	vmul.f32 v33, v3;
	[tilespmem:s29+$0xD8E0] =	vst v38  }
0x189: {  	v45 =	vld [tilespmem:s29+$0xDCE0];
	v44 =	vmul.f32 v35, v3;
	[tilespmem:s29+$0xD8F0] =	vst v40  }
0x18a: {  	v47 =	vld [tilespmem:s29+$0xDCF0];
	v46 =	vmul.f32 v37, v3;
	[tilespmem:s29+$0xDC80] =	vst v42  }
0x18b: {  	v49 =	vld [tilespmem:s29+$0xE080];
	v48 =	vmul.f32 v39, v3;
	[tilespmem:s29+$0xDC90] =	vst v44  }
0x18c: {  	v51 =	vld [tilespmem:s29+$0xE090];
	v50 =	vmul.f32 v41, v3;
	[tilespmem:s29+$0xDCA0] =	vst v46  }
0x18d: {  	v53 =	vld [tilespmem:s29+$0xE0A0];
	v52 =	vmul.f32 v43, v3;
	[tilespmem:s29+$0xDCB0] =	vst v48  }
0x18e: {  	v55 =	vld [tilespmem:s29+$0xE0B0];
	v54 =	vmul.f32 v45, v3;
	[tilespmem:s29+$0xDCC0] =	vst v50  }
0x18f: {  	v57 =	vld [tilespmem:s29+$0xE0C0];
	v56 =	vmul.f32 v47, v3;
	[tilespmem:s29+$0xDCD0] =	vst v52  }
0x190: {  	v59 =	vld [tilespmem:s29+$0xE0D0];
	v58 =	vmul.f32 v49, v3;
	[tilespmem:s29+$0xDCE0] =	vst v54  }
0x191: {  	v61 =	vld [tilespmem:s29+$0xE0E0];
	v60 =	vmul.f32 v51, v3;
	[tilespmem:s29+$0xDCF0] =	vst v56  }
0x192: {  	v63 =	vld [tilespmem:s29+$0xE0F0];
	v62 =	vmul.f32 v53, v3;
	[tilespmem:s29+$0xE080] =	vst v58  }
0x193: {  	v13 =	vld [tilespmem:s29+$0xE480];
	v12 =	vmul.f32 v55, v3;
	[tilespmem:s29+$0xE090] =	vst v60  }
0x194: {  	v15 =	vld [tilespmem:s29+$0xE490];
	v14 =	vmul.f32 v57, v3;
	[tilespmem:s29+$0xE0A0] =	vst v62  }
0x195: {  	v17 =	vld [tilespmem:s29+$0xE4A0];
	v16 =	vmul.f32 v59, v3;
	[tilespmem:s29+$0xE0B0] =	vst v12  }
0x196: {  	v19 =	vld [tilespmem:s29+$0xE4B0];
	v18 =	vmul.f32 v61, v3;
	[tilespmem:s29+$0xE0C0] =	vst v14  }
0x197: {  	v21 =	vld [tilespmem:s29+$0xE4C0];
	v20 =	vmul.f32 v63, v3;
	[tilespmem:s29+$0xE0D0] =	vst v16  }
0x198: {  	v23 =	vld [tilespmem:s29+$0xE4D0];
	v22 =	vmul.f32 v13, v3;
	[tilespmem:s29+$0xE0E0] =	vst v18  }
0x199: {  	v25 =	vld [tilespmem:s29+$0xE4E0];
	v24 =	vmul.f32 v15, v3;
	[tilespmem:s29+$0xE0F0] =	vst v20  }
0x19a: {  	v27 =	vld [tilespmem:s29+$0xE4F0];
	v26 =	vmul.f32 v17, v3;
	[tilespmem:s29+$0xE480] =	vst v22  }
0x19b: {  	v29 =	vld [tilespmem:s29+$0xE880];
	v28 =	vmul.f32 v19, v3;
	[tilespmem:s29+$0xE490] =	vst v24  }
0x19c: {  	v31 =	vld [tilespmem:s29+$0xE890];
	[tilespmem:s29+$0xE4A0] =	vst v26;
	v30 =	vmul.f32 v21, v3  }
0x19d: {  	v33 =	vld [tilespmem:s29+$0xE8A0];
	[tilespmem:s29+$0xE4B0] =	vst v28;
	v32 =	vmul.f32 v23, v3  }
0x19e: {  	v35 =	vld [tilespmem:s29+$0xE8B0];
	v34 =	vmul.f32 v25, v3;
	[tilespmem:s29+$0xE4C0] =	vst v30  }
0x19f: {  	v37 =	vld [tilespmem:s29+$0xE8C0];
	v36 =	vmul.f32 v27, v3;
	[tilespmem:s29+$0xE4D0] =	vst v32  }
0x1a0: {  	v39 =	vld [tilespmem:s29+$0xE8D0];
	v38 =	vmul.f32 v29, v3;
	[tilespmem:s29+$0xE4E0] =	vst v34  }
0x1a1: {  	v41 =	vld [tilespmem:s29+$0xE8E0];
	[tilespmem:s29+$0xE4F0] =	vst v36;
	v40 =	vmul.f32 v31, v3  }
0x1a2: {  	v43 =	vld [tilespmem:s29+$0xE8F0];
	[tilespmem:s29+$0xE880] =	vst v38;
	v42 =	vmul.f32 v33, v3  }
0x1a3: {  	v45 =	vld [tilespmem:s29+$0xEC80];
	v44 =	vmul.f32 v35, v3;
	[tilespmem:s29+$0xE890] =	vst v40  }
0x1a4: {  	v47 =	vld [tilespmem:s29+$0xEC90];
	v46 =	vmul.f32 v37, v3;
	[tilespmem:s29+$0xE8A0] =	vst v42  }
0x1a5: {  	v49 =	vld [tilespmem:s29+$0xECA0];
	v48 =	vmul.f32 v39, v3;
	[tilespmem:s29+$0xE8B0] =	vst v44  }
0x1a6: {  	v51 =	vld [tilespmem:s29+$0xECB0];
	v50 =	vmul.f32 v41, v3;
	[tilespmem:s29+$0xE8C0] =	vst v46  }
0x1a7: {  	v53 =	vld [tilespmem:s29+$0xECC0];
	v52 =	vmul.f32 v43, v3;
	[tilespmem:s29+$0xE8D0] =	vst v48  }
0x1a8: {  	v55 =	vld [tilespmem:s29+$0xECD0];
	v54 =	vmul.f32 v45, v3;
	[tilespmem:s29+$0xE8E0] =	vst v50  }
0x1a9: {  	v57 =	vld [tilespmem:s29+$0xECE0];
	v56 =	vmul.f32 v47, v3;
	[tilespmem:s29+$0xE8F0] =	vst v52  }
0x1aa: {  	v59 =	vld [tilespmem:s29+$0xECF0];
	v58 =	vmul.f32 v49, v3;
	[tilespmem:s29+$0xEC80] =	vst v54  }
0x1ab: {  	v60 =	vmul.f32 v51, v3;
	[tilespmem:s29+$0xEC90] =	vst v56  }
0x1ac: {  	p0 =	sne.s32 s28, $0x3F;
	v61 =	vmul.f32 v53, v3;
	[tilespmem:s29+$0xECA0] =	vst v58  }
.Ltmp3:
0x1ad: {  	v62 =	vmul.f32 v55, v3;
	[tilespmem:s29+$0xECB0] =	vst v60;
	(pc) =	sbr.rel @p0 .LBB2_9-.Ltmp3, $4  }
0x1ae: {  	v63 =	vmul.f32 v57, v3;
	[tilespmem:s29+$0xECC0] =	vst v61  }
0x1af: {  	v3 =	vmul.f32 v59, v3;
	[tilespmem:s29+$0xECD0] =	vst v62  }
0x1b0: {  	[tilespmem:s29+$0xECE0] =	vst v63  }
0x1b1: {  	s21 =	sadd.s32 $0x80, s21;
	s25 =	sadd.s32 $0x1, s25;
	s28 =	sadd.s32 $0x1, s28;
	[tilespmem:s29+$0xECF0] =	vst v3  }
0x1b2: {  	s23 =	sadd.s32 $0x1, s23  }
0x1b3: {  	s21 =	sadd.s32 s5, s24;
	p0 =	sne.s32 s23, $0x10  }
.Ltmp4:
0x1b4: {  	s21 =	sshrl.u32 s21, $0x3;
	(pc) =	sbr.rel @p0 .LBB2_4-.Ltmp4, $3  }
0x1b5: {  	s21 =	smul.u32 $0x300, s21;
	_ =	sdelay $0x1  }
0x1b6: {  	s26 =	sadd.s32 $0x80, s26;
	s22 =	sadd.s32 $0x80, s22;
	s21 =	sadd.s32 s3, s21  }
0x1b7: {  	[hbm4b:s21+s4] =	stream.linear.scatter [tilespmem:s16], [sflag:$0x4], $0xC000, $0x38;
	[tilespmem:$0x19880] =	vst v63  }
0x1b8: {  	_ =	swait.ge [sflag:s19], $0xC000  }
0x1b9: {  	[sflag:s19] =	ssyncset.done $0x0  }
0x1ba: {  	s21 =	simm.s32 $0x4;
	[sflag:s19] =	ssyncadd.s32 $0xFFFF4000  }
0x1bb: {  	_ =	swait.ge [sflag:s21], $0xC000  }
0x1bc: {  	s22 =	rddreg [dreg:$0xa]  }
0x1bd: {  	s20 =	rddreg [dreg:$0x9];
	s22 =	sadd.s32 $0x1, s22  }
0x1be: {  	p0 =	sne.s32 s22, s20  }
.Ltmp5:
0x1bf: {  	_ = 	snop;
	(pc) =	sbr.rel @p0 .LBB2_1-.Ltmp5, $3  }
0x1c0: {  	_ =	sdelay $0x1  }
0x1c1: {  	[sflag:s21] =	ssyncset.done $0x0  }
0x1c2: {  	[sflag:s21] =	ssyncadd.s32 $0xFFFF4000  }
0x1c3: {  	_ =	sfence.sel $0x180000  }
0x1c4: {  	[bflag:$0x0] =	sbarrier.arrive $0xFFFF  }
0x1c5: {  	_ =	strace $0x90000047  }
0x1c6: {  	s0 =	stileid.u32;
	[bflag:$0x2] =	sbarrier.arrive $0xFFFF  }
0x1c7: {  	p0 =	sne.s32 s0, $0x0;
	s0 =	rddreg [dreg:$0x5]  }
0x1c8: {  	s0 =	sadd.s32 @!p0 $0x100000, s0  }
0x1c9: {  	[sflag:s0] =	ssyncadd.tile.s32 @!p0 $0x1;
	_ =	shalt  }
.Lfunc_end2:
_tile_overlayer_lowered:
.L_overlay_start_2:
0x1ca: {  	(tag) =	ssettag $0x2  }
0x1cb: {  	s0 =	rddreg [dreg:$0x0];
	s2 =	stileid.u32  }
0x1cc: {  	s1 =	rddreg [dreg:$0x1];
	p0 =	sne.s32 s2, $0x0  }
0x1cd: {  	s3 =	rddreg [dreg:$0x2];
	[bflag:$0x3] =	sbarrier.arrive $0xFFFF;
	s2 =	simm.s32 @!p0 $0x1C05  }
0x1ce: {  	[timem:s3], [sflag:s2] =	dma.local @!p0 [hbm:s0], s1  }
0x1cf: {  	s0 =	simm.s32 @!p0 $0x5  }
0x1d0: {  	_ =	swait.ge @!p0 [sflag:s0], s1  }
0x1d1: {  	s1 =	ssub.s32 @!p0 $0x0, s1;
	[sflag:s0] =	ssyncset.done @!p0 $0x0  }
0x1d2: {  	[sflag:s0] =	ssyncadd.s32 @!p0 s1  }
0x1d3: {  	[bflag:$0x3] =	sbarrier.arrive $0xFFFF  }
0x1d4: {  	_ =	shalt  }

</sc_bundles>
